<compile_context>
chip_gen: v7x
topology: tpu7x:2x2x1
jax: 0.10.2.dev20260603
libtpu: 0.0.44.dev20260713+nightly
codegen_flags: <defaults>
</compile_context>

<pallas_src>
import functools
import math

import jax
import jax.numpy as jnp
from jax import lax
from jax.experimental import pallas as pl
from jax.experimental.pallas import tpu as pltpu
from jax.experimental.pallas import tpu_sc as plsc

VOCAB = 1_000_000
D_MODEL = 64
SCALE = math.sqrt(D_MODEL)

NUM_CORES = 2
NUM_SUBCORES = 16
LANES = 16
NUM_WORKERS = NUM_CORES * NUM_SUBCORES

CHUNK = 128
NBUF = 4


def _make_lookup(batch_flat: int):
  assert batch_flat % (NUM_WORKERS * CHUNK * NBUF) == 0
  per_worker = batch_flat // NUM_WORKERS
  n_chunks = per_worker // CHUNK

  mesh = plsc.VectorSubcoreMesh(
      core_axis_name="c", subcore_axis_name="s",
      num_cores=NUM_CORES, num_subcores=NUM_SUBCORES)

  @functools.partial(
      pl.kernel,
      out_type=jax.ShapeDtypeStruct((batch_flat, 128), jnp.float32),
      mesh=mesh,
      scratch_types=[
          pltpu.VMEM((n_chunks, CHUNK), jnp.int32),
          pltpu.VMEM((NBUF, CHUNK, 128), jnp.float32),
          pltpu.SemaphoreType.DMA((NBUF,)),
          pltpu.SemaphoreType.DMA((NBUF,)),
      ],
      compiler_params=pltpu.CompilerParams(use_tc_tiling_on_sc=True,
                                           needs_layout_passes=False),
  )
  def lookup(table_hbm, idx_hbm, out_hbm, idx_all, rows, gsem, ssem):
    wid = lax.axis_index("s") * NUM_CORES + lax.axis_index("c")
    base = wid * per_worker
    pltpu.sync_copy(idx_hbm.at[pl.ds(wid * n_chunks, n_chunks)], idx_all)

    @pl.loop(0, n_chunks, step=NBUF)
    def _group(g0):
      gathers = [
          pltpu.async_copy(
              table_hbm.at[idx_all.at[g0 + b]], rows.at[b], gsem.at[b])
          for b in range(NBUF)
      ]
      stores = []
      for b in range(NBUF):
        gathers[b].wait()
        row_buf = rows.at[b]

        @plsc.parallel_loop(0, CHUNK, unroll=4)
        def _scale(r, row_buf=row_buf):
          for j in range(D_MODEL // LANES):
            sl = (r, pl.ds(j * LANES, LANES))
            row_buf[sl] = row_buf[sl] * SCALE

        stores.append(
            pltpu.async_copy(
                row_buf, out_hbm.at[pl.ds(base + (g0 + b) * CHUNK, CHUNK)],
                ssem.at[b]))
      for st in stores:
        st.wait()

  return lookup


def kernel(x, table):
  batch_shape = x.shape
  x_flat = x.reshape(-1).astype(jnp.int32)
  idx2d = x_flat.reshape(-1, CHUNK)
  eye_pad = jnp.concatenate(
      [jnp.eye(D_MODEL, dtype=jnp.float32),
       jnp.zeros((D_MODEL, 128 - D_MODEL), jnp.float32)], axis=1)
  twide = jax.lax.dot(table, eye_pad, precision=jax.lax.Precision.HIGHEST)
  out = _make_lookup(x_flat.shape[0])(twide, idx2d)
  out3 = out.reshape(*batch_shape, 128)
  return out3[..., :D_MODEL]

# --- scband reference (transcript-rebuilt; emitter-appended) ---
"""Pipeline reference for scband-word-embeddings-31275951849564 (READ-ONLY COPY).

The authoritative reference and input builder live on the scoring server;
editing this copy changes nothing except your own understanding.
"""

import jax, jax.numpy as jnp
import numpy as np
import math

VOCAB = 1000000
D_MODEL = 64
BATCH = 4096
HIST = 200

def setup_inputs(seed: int = 0) -> dict:
    key = jax.random.key(seed)
    k1, k2 = jax.random.split(key)
    x = jax.random.randint(k1, (BATCH, HIST), 0, VOCAB, dtype=jnp.int64 if jax.config.jax_enable_x64 else jnp.int32)
    table = jax.random.normal(k2, (VOCAB, D_MODEL), dtype=jnp.float32)
    return {"x": x, "table": table}

def reference(x, table):
    # nn.Embedding lookup followed by sqrt(d_model) scaling
    emb = jnp.take(table, x, axis=0)
    return emb * math.sqrt(D_MODEL)

if __name__ == "__main__":
    import jax
    _d = setup_inputs()
    print(jax.jit(kernel)(*tuple(_d.values())))

</pallas_src>

<mosaic_0001>
#map = affine_map<(d0, d1) -> (0, 0)>
module attributes {stable_mosaic.version = 14 : i64} {
  func.func @lookup(%arg0: i32, %arg1: i32, %arg2: memref<1000000x128xf32, #tpu.memory_space<hbm>>, %arg3: memref<6400x128xi32, #tpu.memory_space<hbm>>, %arg4: memref<819200x128xf32, #tpu.memory_space<hbm>>, %arg5: memref<200x128xi32, #tpu.memory_space<vmem>>, %arg6: memref<4x128x128xf32, #tpu.memory_space<vmem>>, %arg7: memref<4x!tpu.dma_semaphore, #tpu.memory_space<semaphore_mem>>, %arg8: memref<4x!tpu.dma_semaphore, #tpu.memory_space<semaphore_mem>>) attributes {dimension_semantics = [#tpu.dimension_semantics<core_parallel>, #tpu.dimension_semantics<subcore_parallel>], iteration_bounds = array<i64: 2, 16>, scalar_prefetch = 0 : i64, scratch_operands = 4 : i64, tpu.core_type = #tpu.core_type<sc_vector_subcore>, window_params = [{transform_indices = #map}, {transform_indices = #map}, {transform_indices = #map}]} {
    %mul3A = arith.constant 2 : i32
    %mul3A_0 = arith.muli %arg1, %mul3A : i32
    %add3A = arith.addi %mul3A_0, %arg0 : i32
    %mul3A_1 = arith.constant 25600 : i32
    %mul3A_2 = arith.muli %add3A, %mul3A_1 : i32
    %mul3A_3 = arith.constant 200 : i32
    %mul3A_4 = arith.muli %add3A, %mul3A_3 : i32
    "tpu.region"() ({
      %run_scoped3A = tpu.sem_alloc : memref<!tpu.dma_semaphore, #tpu.memory_space<semaphore_mem>>
      %dma_start3A = arith.constant 0 : i32
      %dma_start3A_9 = tpu.memref_slice %arg3[%mul3A_4, %dma_start3A] : memref<6400x128xi32, #tpu.memory_space<hbm>> -> memref<200x128xi32, #tpu.memory_space<hbm>>
      %dma_start3A_10 = arith.constant 0 : i32
      %dma_start3A_11 = tpu.memref_slice %arg3[%mul3A_4, %dma_start3A_10] : memref<6400x128xi32, #tpu.memory_space<hbm>> -> memref<200x128xi32, #tpu.memory_space<hbm>>
      tpu.enqueue_dma source(%dma_start3A_11 : memref<200x128xi32, #tpu.memory_space<hbm>>) target(%arg5 : memref<200x128xi32, #tpu.memory_space<vmem>>) target_semaphore(%run_scoped3A : memref<!tpu.dma_semaphore, #tpu.memory_space<semaphore_mem>>)
      %dma_wait3A = arith.constant 0 : i32
      %dma_wait3A_12 = tpu.memref_slice %arg3[%mul3A_4, %dma_wait3A] : memref<6400x128xi32, #tpu.memory_space<hbm>> -> memref<200x128xi32, #tpu.memory_space<hbm>>
      %dma_wait3A_13 = arith.constant 0 : i32
      %dma_wait3A_14 = tpu.memref_slice %arg3[%mul3A_4, %dma_wait3A_13] : memref<6400x128xi32, #tpu.memory_space<hbm>> -> memref<200x128xi32, #tpu.memory_space<hbm>>
      tpu.wait_dma2 semaphore(%run_scoped3A : memref<!tpu.dma_semaphore, #tpu.memory_space<semaphore_mem>>) src(%dma_wait3A_14 : memref<200x128xi32, #tpu.memory_space<hbm>>) dst(%arg5 : memref<200x128xi32, #tpu.memory_space<vmem>>)
      tpu.yield
    }) : () -> ()
    %scan3A = arith.constant 0 : i32
    %scan3A_5 = arith.constant 50 : i32
    %scan3A_6 = arith.addi %scan3A, %scan3A_5 : i32
    %scan3A_7 = arith.constant 1 : i32
    scf.for %scan3A_9 = %scan3A to %scan3A_6 step %scan3A_7  : i32 {
      %mul3A_10 = arith.constant 4 : i32
      %mul3A_11 = arith.muli %scan3A_9, %mul3A_10 : i32
      %add3A_12 = arith.constant 0 : i32
      %add3A_13 = arith.addi %add3A_12, %mul3A_11 : i32
      %add3A_14 = arith.constant 0 : i32
      %add3A_15 = arith.addi %add3A_13, %add3A_14 : i32
      %dma_start3A = arith.constant 0 : i32
      %dma_start3A_16 = arith.constant 0 : i32
      %dma_start3A_17 = arith.constant 0 : i32
      %dma_start3A_18 = arith.constant 0 : i32
      %dma_start3A_19 = tpu.memref_slice %arg6[%dma_start3A, %dma_start3A_17, %dma_start3A_18] : memref<4x128x128xf32, #tpu.memory_space<vmem>> -> memref<1x128x128xf32, #tpu.memory_space<vmem>>
      %dma_start3A_20 = tpu.memref_squeeze %dma_start3A_19 : memref<1x128x128xf32, #tpu.memory_space<vmem>> -> memref<128x128xf32, #tpu.memory_space<vmem>>
      %dma_start3A_21 = arith.constant 0 : i32
      %dma_start3A_22 = tpu.memref_slice %arg5[%add3A_15, %dma_start3A_21] : memref<200x128xi32, #tpu.memory_space<vmem>> -> memref<1x128xi32, #tpu.memory_space<vmem>>
      %dma_start3A_23 = tpu.memref_squeeze %dma_start3A_22 : memref<1x128xi32, #tpu.memory_space<vmem>> -> memref<128xi32, #tpu.memory_space<vmem>>
      %dma_start3A_24 = arith.constant 0 : i32
      %dma_start3A_25 = arith.constant 0 : i32
      %dma_start3A_26 = tpu.memref_slice %arg2[%dma_start3A_24, %dma_start3A_25] : memref<1000000x128xf32, #tpu.memory_space<hbm>> -> memref<1000000x128xf32, #tpu.memory_space<hbm>>
      %dma_start3A_27 = tpu.memref_slice %arg7[%dma_start3A_16] : memref<4x!tpu.dma_semaphore, #tpu.memory_space<semaphore_mem>> -> memref<1x!tpu.dma_semaphore, #tpu.memory_space<semaphore_mem>>
      %dma_start3A_28 = tpu.memref_squeeze %dma_start3A_27 : memref<1x!tpu.dma_semaphore, #tpu.memory_space<semaphore_mem>> -> memref<!tpu.dma_semaphore, #tpu.memory_space<semaphore_mem>>
      tpu.enqueue_indirect_dma source(%dma_start3A_26 : memref<1000000x128xf32, #tpu.memory_space<hbm>>) target(%dma_start3A_20 : memref<128x128xf32, #tpu.memory_space<vmem>>) offsets(%dma_start3A_23 : memref<128xi32, #tpu.memory_space<vmem>>) semaphore(%dma_start3A_28 : memref<!tpu.dma_semaphore, #tpu.memory_space<semaphore_mem>>)
      %add3A_29 = arith.constant 1 : i32
      %add3A_30 = arith.addi %add3A_13, %add3A_29 : i32
      %dma_start3A_31 = arith.constant 1 : i32
      %dma_start3A_32 = arith.constant 1 : i32
      %dma_start3A_33 = arith.constant 0 : i32
      %dma_start3A_34 = arith.constant 0 : i32
      %dma_start3A_35 = tpu.memref_slice %arg6[%dma_start3A_31, %dma_start3A_33, %dma_start3A_34] : memref<4x128x128xf32, #tpu.memory_space<vmem>> -> memref<1x128x128xf32, #tpu.memory_space<vmem>>
      %dma_start3A_36 = tpu.memref_squeeze %dma_start3A_35 : memref<1x128x128xf32, #tpu.memory_space<vmem>> -> memref<128x128xf32, #tpu.memory_space<vmem>>
      %dma_start3A_37 = arith.constant 0 : i32
      %dma_start3A_38 = tpu.memref_slice %arg5[%add3A_30, %dma_start3A_37] : memref<200x128xi32, #tpu.memory_space<vmem>> -> memref<1x128xi32, #tpu.memory_space<vmem>>
      %dma_start3A_39 = tpu.memref_squeeze %dma_start3A_38 : memref<1x128xi32, #tpu.memory_space<vmem>> -> memref<128xi32, #tpu.memory_space<vmem>>
      %dma_start3A_40 = arith.constant 0 : i32
      %dma_start3A_41 = arith.constant 0 : i32
      %dma_start3A_42 = tpu.memref_slice %arg2[%dma_start3A_40, %dma_start3A_41] : memref<1000000x128xf32, #tpu.memory_space<hbm>> -> memref<1000000x128xf32, #tpu.memory_space<hbm>>
      %dma_start3A_43 = tpu.memref_slice %arg7[%dma_start3A_32] : memref<4x!tpu.dma_semaphore, #tpu.memory_space<semaphore_mem>> -> memref<1x!tpu.dma_semaphore, #tpu.memory_space<semaphore_mem>>
      %dma_start3A_44 = tpu.memref_squeeze %dma_start3A_43 : memref<1x!tpu.dma_semaphore, #tpu.memory_space<semaphore_mem>> -> memref<!tpu.dma_semaphore, #tpu.memory_space<semaphore_mem>>
      tpu.enqueue_indirect_dma source(%dma_start3A_42 : memref<1000000x128xf32, #tpu.memory_space<hbm>>) target(%dma_start3A_36 : memref<128x128xf32, #tpu.memory_space<vmem>>) offsets(%dma_start3A_39 : memref<128xi32, #tpu.memory_space<vmem>>) semaphore(%dma_start3A_44 : memref<!tpu.dma_semaphore, #tpu.memory_space<semaphore_mem>>)
      %add3A_45 = arith.constant 2 : i32
      %add3A_46 = arith.addi %add3A_13, %add3A_45 : i32
      %dma_start3A_47 = arith.constant 2 : i32
      %dma_start3A_48 = arith.constant 2 : i32
      %dma_start3A_49 = arith.constant 0 : i32
      %dma_start3A_50 = arith.constant 0 : i32
      %dma_start3A_51 = tpu.memref_slice %arg6[%dma_start3A_47, %dma_start3A_49, %dma_start3A_50] : memref<4x128x128xf32, #tpu.memory_space<vmem>> -> memref<1x128x128xf32, #tpu.memory_space<vmem>>
      %dma_start3A_52 = tpu.memref_squeeze %dma_start3A_51 : memref<1x128x128xf32, #tpu.memory_space<vmem>> -> memref<128x128xf32, #tpu.memory_space<vmem>>
      %dma_start3A_53 = arith.constant 0 : i32
      %dma_start3A_54 = tpu.memref_slice %arg5[%add3A_46, %dma_start3A_53] : memref<200x128xi32, #tpu.memory_space<vmem>> -> memref<1x128xi32, #tpu.memory_space<vmem>>
      %dma_start3A_55 = tpu.memref_squeeze %dma_start3A_54 : memref<1x128xi32, #tpu.memory_space<vmem>> -> memref<128xi32, #tpu.memory_space<vmem>>
      %dma_start3A_56 = arith.constant 0 : i32
      %dma_start3A_57 = arith.constant 0 : i32
      %dma_start3A_58 = tpu.memref_slice %arg2[%dma_start3A_56, %dma_start3A_57] : memref<1000000x128xf32, #tpu.memory_space<hbm>> -> memref<1000000x128xf32, #tpu.memory_space<hbm>>
      %dma_start3A_59 = tpu.memref_slice %arg7[%dma_start3A_48] : memref<4x!tpu.dma_semaphore, #tpu.memory_space<semaphore_mem>> -> memref<1x!tpu.dma_semaphore, #tpu.memory_space<semaphore_mem>>
      %dma_start3A_60 = tpu.memref_squeeze %dma_start3A_59 : memref<1x!tpu.dma_semaphore, #tpu.memory_space<semaphore_mem>> -> memref<!tpu.dma_semaphore, #tpu.memory_space<semaphore_mem>>
      tpu.enqueue_indirect_dma source(%dma_start3A_58 : memref<1000000x128xf32, #tpu.memory_space<hbm>>) target(%dma_start3A_52 : memref<128x128xf32, #tpu.memory_space<vmem>>) offsets(%dma_start3A_55 : memref<128xi32, #tpu.memory_space<vmem>>) semaphore(%dma_start3A_60 : memref<!tpu.dma_semaphore, #tpu.memory_space<semaphore_mem>>)
      %add3A_61 = arith.constant 3 : i32
      %add3A_62 = arith.addi %add3A_13, %add3A_61 : i32
      %dma_start3A_63 = arith.constant 3 : i32
      %dma_start3A_64 = arith.constant 3 : i32
      %dma_start3A_65 = arith.constant 0 : i32
      %dma_start3A_66 = arith.constant 0 : i32
      %dma_start3A_67 = tpu.memref_slice %arg6[%dma_start3A_63, %dma_start3A_65, %dma_start3A_66] : memref<4x128x128xf32, #tpu.memory_space<vmem>> -> memref<1x128x128xf32, #tpu.memory_space<vmem>>
      %dma_start3A_68 = tpu.memref_squeeze %dma_start3A_67 : memref<1x128x128xf32, #tpu.memory_space<vmem>> -> memref<128x128xf32, #tpu.memory_space<vmem>>
      %dma_start3A_69 = arith.constant 0 : i32
      %dma_start3A_70 = tpu.memref_slice %arg5[%add3A_62, %dma_start3A_69] : memref<200x128xi32, #tpu.memory_space<vmem>> -> memref<1x128xi32, #tpu.memory_space<vmem>>
      %dma_start3A_71 = tpu.memref_squeeze %dma_start3A_70 : memref<1x128xi32, #tpu.memory_space<vmem>> -> memref<128xi32, #tpu.memory_space<vmem>>
      %dma_start3A_72 = arith.constant 0 : i32
      %dma_start3A_73 = arith.constant 0 : i32
      %dma_start3A_74 = tpu.memref_slice %arg2[%dma_start3A_72, %dma_start3A_73] : memref<1000000x128xf32, #tpu.memory_space<hbm>> -> memref<1000000x128xf32, #tpu.memory_space<hbm>>
      %dma_start3A_75 = tpu.memref_slice %arg7[%dma_start3A_64] : memref<4x!tpu.dma_semaphore, #tpu.memory_space<semaphore_mem>> -> memref<1x!tpu.dma_semaphore, #tpu.memory_space<semaphore_mem>>
      %dma_start3A_76 = tpu.memref_squeeze %dma_start3A_75 : memref<1x!tpu.dma_semaphore, #tpu.memory_space<semaphore_mem>> -> memref<!tpu.dma_semaphore, #tpu.memory_space<semaphore_mem>>
      tpu.enqueue_indirect_dma source(%dma_start3A_74 : memref<1000000x128xf32, #tpu.memory_space<hbm>>) target(%dma_start3A_68 : memref<128x128xf32, #tpu.memory_space<vmem>>) offsets(%dma_start3A_71 : memref<128xi32, #tpu.memory_space<vmem>>) semaphore(%dma_start3A_76 : memref<!tpu.dma_semaphore, #tpu.memory_space<semaphore_mem>>)
      %dma_wait3A = arith.constant 0 : i32
      %dma_wait3A_77 = arith.constant 0 : i32
      %dma_wait3A_78 = arith.constant 0 : i32
      %dma_wait3A_79 = arith.constant 0 : i32
      %dma_wait3A_80 = tpu.memref_slice %arg6[%dma_wait3A, %dma_wait3A_78, %dma_wait3A_79] : memref<4x128x128xf32, #tpu.memory_space<vmem>> -> memref<1x128x128xf32, #tpu.memory_space<vmem>>
      %dma_wait3A_81 = tpu.memref_squeeze %dma_wait3A_80 : memref<1x128x128xf32, #tpu.memory_space<vmem>> -> memref<128x128xf32, #tpu.memory_space<vmem>>
      %dma_wait3A_82 = arith.constant 0 : i32
      %dma_wait3A_83 = tpu.memref_slice %arg5[%add3A_15, %dma_wait3A_82] : memref<200x128xi32, #tpu.memory_space<vmem>> -> memref<1x128xi32, #tpu.memory_space<vmem>>
      %dma_wait3A_84 = tpu.memref_squeeze %dma_wait3A_83 : memref<1x128xi32, #tpu.memory_space<vmem>> -> memref<128xi32, #tpu.memory_space<vmem>>
      %dma_wait3A_85 = arith.constant 0 : i32
      %dma_wait3A_86 = arith.constant 0 : i32
      %dma_wait3A_87 = tpu.memref_slice %arg2[%dma_wait3A_85, %dma_wait3A_86] : memref<1000000x128xf32, #tpu.memory_space<hbm>> -> memref<1000000x128xf32, #tpu.memory_space<hbm>>
      %dma_wait3A_88 = tpu.memref_slice %arg7[%dma_wait3A_77] : memref<4x!tpu.dma_semaphore, #tpu.memory_space<semaphore_mem>> -> memref<1x!tpu.dma_semaphore, #tpu.memory_space<semaphore_mem>>
      %dma_wait3A_89 = tpu.memref_squeeze %dma_wait3A_88 : memref<1x!tpu.dma_semaphore, #tpu.memory_space<semaphore_mem>> -> memref<!tpu.dma_semaphore, #tpu.memory_space<semaphore_mem>>
      tpu.wait_indirect_dma semaphore(%dma_wait3A_89 : memref<!tpu.dma_semaphore, #tpu.memory_space<semaphore_mem>>) src(%dma_wait3A_87 : memref<1000000x128xf32, #tpu.memory_space<hbm>>) dst(%dma_wait3A_81 : memref<128x128xf32, #tpu.memory_space<vmem>>)
      %parallel_loop3A = arith.constant 0 : i32
      %parallel_loop3A_90 = arith.constant 128 : i32
      %parallel_loop3A_91 = arith.constant 1 : i32
      %parallel_loop3A_92 = arith.constant 0 : i32
      scf.for %parallel_loop3A_295 = %parallel_loop3A to %parallel_loop3A_90 step %parallel_loop3A_91  : i32 {
        %parallel_loop3A_296 = arith.constant 0 : i32
        %parallel_loop3A_297 = arith.constant 0 : i32
        %parallel_loop3A_298 = tpu.memref_slice %arg6[%parallel_loop3A_92, %parallel_loop3A_296, %parallel_loop3A_297] : memref<4x128x128xf32, #tpu.memory_space<vmem>> -> memref<1x128x128xf32, #tpu.memory_space<vmem>>
        %parallel_loop3A_299 = tpu.memref_squeeze %parallel_loop3A_298 : memref<1x128x128xf32, #tpu.memory_space<vmem>> -> memref<128x128xf32, #tpu.memory_space<vmem>>
        %parallel_loop3A_300 = arith.index_cast %parallel_loop3A_295 : i32 to index
        %parallel_loop3A_301 = arith.constant 0 : index
        %parallel_loop3A_302 = tpu.vector_load %parallel_loop3A_299[%parallel_loop3A_300, %parallel_loop3A_301] {strides = array<i32>} : memref<128x128xf32, #tpu.memory_space<vmem>>, vector<16xf32>,
        %parallel_loop3A_303 = arith.constant 8.000000e+00 : f32
        %parallel_loop3A_304 = vector.broadcast %parallel_loop3A_303 : f32 to vector<16xf32>
        %parallel_loop3A_305 = arith.mulf %parallel_loop3A_302, %parallel_loop3A_304 : vector<16xf32>
        %parallel_loop3A_306 = arith.constant 0 : i32
        %parallel_loop3A_307 = arith.constant 0 : i32
        %parallel_loop3A_308 = tpu.memref_slice %arg6[%parallel_loop3A_92, %parallel_loop3A_306, %parallel_loop3A_307] : memref<4x128x128xf32, #tpu.memory_space<vmem>> -> memref<1x128x128xf32, #tpu.memory_space<vmem>>
        %parallel_loop3A_309 = tpu.memref_squeeze %parallel_loop3A_308 : memref<1x128x128xf32, #tpu.memory_space<vmem>> -> memref<128x128xf32, #tpu.memory_space<vmem>>
        %parallel_loop3A_310 = arith.index_cast %parallel_loop3A_295 : i32 to index
        %parallel_loop3A_311 = arith.constant 0 : index
        %parallel_loop3A_312 = tpu.vector_load %parallel_loop3A_309[%parallel_loop3A_310, %parallel_loop3A_311] {strides = array<i32>} : memref<128x128xf32, #tpu.memory_space<vmem>>, vector<16xf32>,
        tpu.vector_store %parallel_loop3A_309[%parallel_loop3A_310, %parallel_loop3A_311], %parallel_loop3A_305 {strides = array<i32>} : memref<128x128xf32, #tpu.memory_space<vmem>>, vector<16xf32>,
        %parallel_loop3A_313 = arith.constant 0 : i32
        %parallel_loop3A_314 = arith.constant 0 : i32
        %parallel_loop3A_315 = tpu.memref_slice %arg6[%parallel_loop3A_92, %parallel_loop3A_313, %parallel_loop3A_314] : memref<4x128x128xf32, #tpu.memory_space<vmem>> -> memref<1x128x128xf32, #tpu.memory_space<vmem>>
        %parallel_loop3A_316 = tpu.memref_squeeze %parallel_loop3A_315 : memref<1x128x128xf32, #tpu.memory_space<vmem>> -> memref<128x128xf32, #tpu.memory_space<vmem>>
        %parallel_loop3A_317 = arith.index_cast %parallel_loop3A_295 : i32 to index
        %parallel_loop3A_318 = arith.constant 16 : index
        %parallel_loop3A_319 = tpu.vector_load %parallel_loop3A_316[%parallel_loop3A_317, %parallel_loop3A_318] {strides = array<i32>} : memref<128x128xf32, #tpu.memory_space<vmem>>, vector<16xf32>,
        %parallel_loop3A_320 = arith.constant 8.000000e+00 : f32
        %parallel_loop3A_321 = vector.broadcast %parallel_loop3A_320 : f32 to vector<16xf32>
        %parallel_loop3A_322 = arith.mulf %parallel_loop3A_319, %parallel_loop3A_321 : vector<16xf32>
        %parallel_loop3A_323 = arith.constant 0 : i32
        %parallel_loop3A_324 = arith.constant 0 : i32
        %parallel_loop3A_325 = tpu.memref_slice %arg6[%parallel_loop3A_92, %parallel_loop3A_323, %parallel_loop3A_324] : memref<4x128x128xf32, #tpu.memory_space<vmem>> -> memref<1x128x128xf32, #tpu.memory_space<vmem>>
        %parallel_loop3A_326 = tpu.memref_squeeze %parallel_loop3A_325 : memref<1x128x128xf32, #tpu.memory_space<vmem>> -> memref<128x128xf32, #tpu.memory_space<vmem>>
        %parallel_loop3A_327 = arith.index_cast %parallel_loop3A_295 : i32 to index
        %parallel_loop3A_328 = arith.constant 16 : index
        %parallel_loop3A_329 = tpu.vector_load %parallel_loop3A_326[%parallel_loop3A_327, %parallel_loop3A_328] {strides = array<i32>} : memref<128x128xf32, #tpu.memory_space<vmem>>, vector<16xf32>,
        tpu.vector_store %parallel_loop3A_326[%parallel_loop3A_327, %parallel_loop3A_328], %parallel_loop3A_322 {strides = array<i32>} : memref<128x128xf32, #tpu.memory_space<vmem>>, vector<16xf32>,
        %parallel_loop3A_330 = arith.constant 0 : i32
        %parallel_loop3A_331 = arith.constant 0 : i32
        %parallel_loop3A_332 = tpu.memref_slice %arg6[%parallel_loop3A_92, %parallel_loop3A_330, %parallel_loop3A_331] : memref<4x128x128xf32, #tpu.memory_space<vmem>> -> memref<1x128x128xf32, #tpu.memory_space<vmem>>
        %parallel_loop3A_333 = tpu.memref_squeeze %parallel_loop3A_332 : memref<1x128x128xf32, #tpu.memory_space<vmem>> -> memref<128x128xf32, #tpu.memory_space<vmem>>
        %parallel_loop3A_334 = arith.index_cast %parallel_loop3A_295 : i32 to index
        %parallel_loop3A_335 = arith.constant 32 : index
        %parallel_loop3A_336 = tpu.vector_load %parallel_loop3A_333[%parallel_loop3A_334, %parallel_loop3A_335] {strides = array<i32>} : memref<128x128xf32, #tpu.memory_space<vmem>>, vector<16xf32>,
        %parallel_loop3A_337 = arith.constant 8.000000e+00 : f32
        %parallel_loop3A_338 = vector.broadcast %parallel_loop3A_337 : f32 to vector<16xf32>
        %parallel_loop3A_339 = arith.mulf %parallel_loop3A_336, %parallel_loop3A_338 : vector<16xf32>
        %parallel_loop3A_340 = arith.constant 0 : i32
        %parallel_loop3A_341 = arith.constant 0 : i32
        %parallel_loop3A_342 = tpu.memref_slice %arg6[%parallel_loop3A_92, %parallel_loop3A_340, %parallel_loop3A_341] : memref<4x128x128xf32, #tpu.memory_space<vmem>> -> memref<1x128x128xf32, #tpu.memory_space<vmem>>
        %parallel_loop3A_343 = tpu.memref_squeeze %parallel_loop3A_342 : memref<1x128x128xf32, #tpu.memory_space<vmem>> -> memref<128x128xf32, #tpu.memory_space<vmem>>
        %parallel_loop3A_344 = arith.index_cast %parallel_loop3A_295 : i32 to index
        %parallel_loop3A_345 = arith.constant 32 : index
        %parallel_loop3A_346 = tpu.vector_load %parallel_loop3A_343[%parallel_loop3A_344, %parallel_loop3A_345] {strides = array<i32>} : memref<128x128xf32, #tpu.memory_space<vmem>>, vector<16xf32>,
        tpu.vector_store %parallel_loop3A_343[%parallel_loop3A_344, %parallel_loop3A_345], %parallel_loop3A_339 {strides = array<i32>} : memref<128x128xf32, #tpu.memory_space<vmem>>, vector<16xf32>,
        %parallel_loop3A_347 = arith.constant 0 : i32
        %parallel_loop3A_348 = arith.constant 0 : i32
        %parallel_loop3A_349 = tpu.memref_slice %arg6[%parallel_loop3A_92, %parallel_loop3A_347, %parallel_loop3A_348] : memref<4x128x128xf32, #tpu.memory_space<vmem>> -> memref<1x128x128xf32, #tpu.memory_space<vmem>>
        %parallel_loop3A_350 = tpu.memref_squeeze %parallel_loop3A_349 : memref<1x128x128xf32, #tpu.memory_space<vmem>> -> memref<128x128xf32, #tpu.memory_space<vmem>>
        %parallel_loop3A_351 = arith.index_cast %parallel_loop3A_295 : i32 to index
        %parallel_loop3A_352 = arith.constant 48 : index
        %parallel_loop3A_353 = tpu.vector_load %parallel_loop3A_350[%parallel_loop3A_351, %parallel_loop3A_352] {strides = array<i32>} : memref<128x128xf32, #tpu.memory_space<vmem>>, vector<16xf32>,
        %parallel_loop3A_354 = arith.constant 8.000000e+00 : f32
        %parallel_loop3A_355 = vector.broadcast %parallel_loop3A_354 : f32 to vector<16xf32>
        %parallel_loop3A_356 = arith.mulf %parallel_loop3A_353, %parallel_loop3A_355 : vector<16xf32>
        %parallel_loop3A_357 = arith.constant 0 : i32
        %parallel_loop3A_358 = arith.constant 0 : i32
        %parallel_loop3A_359 = tpu.memref_slice %arg6[%parallel_loop3A_92, %parallel_loop3A_357, %parallel_loop3A_358] : memref<4x128x128xf32, #tpu.memory_space<vmem>> -> memref<1x128x128xf32, #tpu.memory_space<vmem>>
        %parallel_loop3A_360 = tpu.memref_squeeze %parallel_loop3A_359 : memref<1x128x128xf32, #tpu.memory_space<vmem>> -> memref<128x128xf32, #tpu.memory_space<vmem>>
        %parallel_loop3A_361 = arith.index_cast %parallel_loop3A_295 : i32 to index
        %parallel_loop3A_362 = arith.constant 48 : index
        %parallel_loop3A_363 = tpu.vector_load %parallel_loop3A_360[%parallel_loop3A_361, %parallel_loop3A_362] {strides = array<i32>} : memref<128x128xf32, #tpu.memory_space<vmem>>, vector<16xf32>,
        tpu.vector_store %parallel_loop3A_360[%parallel_loop3A_361, %parallel_loop3A_362], %parallel_loop3A_356 {strides = array<i32>} : memref<128x128xf32, #tpu.memory_space<vmem>>, vector<16xf32>,
      } {sc.loop_unroll_factor = 4 : i64, sc.parallel_access}
      %add3A_93 = arith.constant 0 : i32
      %add3A_94 = arith.addi %add3A_13, %add3A_93 : i32
      %mul3A_95 = arith.constant 128 : i32
      %mul3A_96 = arith.muli %add3A_94, %mul3A_95 : i32
      %add3A_97 = arith.addi %mul3A_2, %mul3A_96 : i32
      %dma_start3A_98 = arith.constant 0 : i32
      %dma_start3A_99 = arith.constant 0 : i32
      %dma_start3A_100 = arith.constant 0 : i32
      %dma_start3A_101 = arith.constant 0 : i32
      %dma_start3A_102 = tpu.memref_slice %arg6[%dma_start3A_98, %dma_start3A_100, %dma_start3A_101] : memref<4x128x128xf32, #tpu.memory_space<vmem>> -> memref<1x128x128xf32, #tpu.memory_space<vmem>>
      %dma_start3A_103 = tpu.memref_squeeze %dma_start3A_102 : memref<1x128x128xf32, #tpu.memory_space<vmem>> -> memref<128x128xf32, #tpu.memory_space<vmem>>
      %dma_start3A_104 = arith.constant 0 : i32
      %dma_start3A_105 = tpu.memref_slice %arg4[%add3A_97, %dma_start3A_104] : memref<819200x128xf32, #tpu.memory_space<hbm>> -> memref<128x128xf32, #tpu.memory_space<hbm>>
      %dma_start3A_106 = tpu.memref_slice %arg8[%dma_start3A_99] : memref<4x!tpu.dma_semaphore, #tpu.memory_space<semaphore_mem>> -> memref<1x!tpu.dma_semaphore, #tpu.memory_space<semaphore_mem>>
      %dma_start3A_107 = tpu.memref_squeeze %dma_start3A_106 : memref<1x!tpu.dma_semaphore, #tpu.memory_space<semaphore_mem>> -> memref<!tpu.dma_semaphore, #tpu.memory_space<semaphore_mem>>
      %dma_start3A_108 = arith.constant 0 : i32
      %dma_start3A_109 = tpu.memref_slice %arg4[%add3A_97, %dma_start3A_108] : memref<819200x128xf32, #tpu.memory_space<hbm>> -> memref<128x128xf32, #tpu.memory_space<hbm>>
      %dma_start3A_110 = arith.constant 0 : i32
      %dma_start3A_111 = arith.constant 0 : i32
      %dma_start3A_112 = tpu.memref_slice %arg6[%dma_start3A_98, %dma_start3A_110, %dma_start3A_111] : memref<4x128x128xf32, #tpu.memory_space<vmem>> -> memref<1x128x128xf32, #tpu.memory_space<vmem>>
      %dma_start3A_113 = tpu.memref_squeeze %dma_start3A_112 : memref<1x128x128xf32, #tpu.memory_space<vmem>> -> memref<128x128xf32, #tpu.memory_space<vmem>>
      tpu.enqueue_dma source(%dma_start3A_113 : memref<128x128xf32, #tpu.memory_space<vmem>>) target(%dma_start3A_109 : memref<128x128xf32, #tpu.memory_space<hbm>>) target_semaphore(%dma_start3A_107 : memref<!tpu.dma_semaphore, #tpu.memory_space<semaphore_mem>>)
      %dma_wait3A_114 = arith.constant 1 : i32
      %dma_wait3A_115 = arith.constant 1 : i32
      %dma_wait3A_116 = arith.constant 0 : i32
      %dma_wait3A_117 = arith.constant 0 : i32
      %dma_wait3A_118 = tpu.memref_slice %arg6[%dma_wait3A_114, %dma_wait3A_116, %dma_wait3A_117] : memref<4x128x128xf32, #tpu.memory_space<vmem>> -> memref<1x128x128xf32, #tpu.memory_space<vmem>>
      %dma_wait3A_119 = tpu.memref_squeeze %dma_wait3A_118 : memref<1x128x128xf32, #tpu.memory_space<vmem>> -> memref<128x128xf32, #tpu.memory_space<vmem>>
      %dma_wait3A_120 = arith.constant 0 : i32
      %dma_wait3A_121 = tpu.memref_slice %arg5[%add3A_30, %dma_wait3A_120] : memref<200x128xi32, #tpu.memory_space<vmem>> -> memref<1x128xi32, #tpu.memory_space<vmem>>
      %dma_wait3A_122 = tpu.memref_squeeze %dma_wait3A_121 : memref<1x128xi32, #tpu.memory_space<vmem>> -> memref<128xi32, #tpu.memory_space<vmem>>
      %dma_wait3A_123 = arith.constant 0 : i32
      %dma_wait3A_124 = arith.constant 0 : i32
      %dma_wait3A_125 = tpu.memref_slice %arg2[%dma_wait3A_123, %dma_wait3A_124] : memref<1000000x128xf32, #tpu.memory_space<hbm>> -> memref<1000000x128xf32, #tpu.memory_space<hbm>>
      %dma_wait3A_126 = tpu.memref_slice %arg7[%dma_wait3A_115] : memref<4x!tpu.dma_semaphore, #tpu.memory_space<semaphore_mem>> -> memref<1x!tpu.dma_semaphore, #tpu.memory_space<semaphore_mem>>
      %dma_wait3A_127 = tpu.memref_squeeze %dma_wait3A_126 : memref<1x!tpu.dma_semaphore, #tpu.memory_space<semaphore_mem>> -> memref<!tpu.dma_semaphore, #tpu.memory_space<semaphore_mem>>
      tpu.wait_indirect_dma semaphore(%dma_wait3A_127 : memref<!tpu.dma_semaphore, #tpu.memory_space<semaphore_mem>>) src(%dma_wait3A_125 : memref<1000000x128xf32, #tpu.memory_space<hbm>>) dst(%dma_wait3A_119 : memref<128x128xf32, #tpu.memory_space<vmem>>)
      %parallel_loop3A_128 = arith.constant 0 : i32
      %parallel_loop3A_129 = arith.constant 128 : i32
      %parallel_loop3A_130 = arith.constant 1 : i32
      %parallel_loop3A_131 = arith.constant 1 : i32
      scf.for %parallel_loop3A_295 = %parallel_loop3A_128 to %parallel_loop3A_129 step %parallel_loop3A_130  : i32 {
        %parallel_loop3A_296 = arith.constant 0 : i32
        %parallel_loop3A_297 = arith.constant 0 : i32
        %parallel_loop3A_298 = tpu.memref_slice %arg6[%parallel_loop3A_131, %parallel_loop3A_296, %parallel_loop3A_297] : memref<4x128x128xf32, #tpu.memory_space<vmem>> -> memref<1x128x128xf32, #tpu.memory_space<vmem>>
        %parallel_loop3A_299 = tpu.memref_squeeze %parallel_loop3A_298 : memref<1x128x128xf32, #tpu.memory_space<vmem>> -> memref<128x128xf32, #tpu.memory_space<vmem>>
        %parallel_loop3A_300 = arith.index_cast %parallel_loop3A_295 : i32 to index
        %parallel_loop3A_301 = arith.constant 0 : index
        %parallel_loop3A_302 = tpu.vector_load %parallel_loop3A_299[%parallel_loop3A_300, %parallel_loop3A_301] {strides = array<i32>} : memref<128x128xf32, #tpu.memory_space<vmem>>, vector<16xf32>,
        %parallel_loop3A_303 = arith.constant 8.000000e+00 : f32
        %parallel_loop3A_304 = vector.broadcast %parallel_loop3A_303 : f32 to vector<16xf32>
        %parallel_loop3A_305 = arith.mulf %parallel_loop3A_302, %parallel_loop3A_304 : vector<16xf32>
        %parallel_loop3A_306 = arith.constant 0 : i32
        %parallel_loop3A_307 = arith.constant 0 : i32
        %parallel_loop3A_308 = tpu.memref_slice %arg6[%parallel_loop3A_131, %parallel_loop3A_306, %parallel_loop3A_307] : memref<4x128x128xf32, #tpu.memory_space<vmem>> -> memref<1x128x128xf32, #tpu.memory_space<vmem>>
        %parallel_loop3A_309 = tpu.memref_squeeze %parallel_loop3A_308 : memref<1x128x128xf32, #tpu.memory_space<vmem>> -> memref<128x128xf32, #tpu.memory_space<vmem>>
        %parallel_loop3A_310 = arith.index_cast %parallel_loop3A_295 : i32 to index
        %parallel_loop3A_311 = arith.constant 0 : index
        %parallel_loop3A_312 = tpu.vector_load %parallel_loop3A_309[%parallel_loop3A_310, %parallel_loop3A_311] {strides = array<i32>} : memref<128x128xf32, #tpu.memory_space<vmem>>, vector<16xf32>,
        tpu.vector_store %parallel_loop3A_309[%parallel_loop3A_310, %parallel_loop3A_311], %parallel_loop3A_305 {strides = array<i32>} : memref<128x128xf32, #tpu.memory_space<vmem>>, vector<16xf32>,
        %parallel_loop3A_313 = arith.constant 0 : i32
        %parallel_loop3A_314 = arith.constant 0 : i32
        %parallel_loop3A_315 = tpu.memref_slice %arg6[%parallel_loop3A_131, %parallel_loop3A_313, %parallel_loop3A_314] : memref<4x128x128xf32, #tpu.memory_space<vmem>> -> memref<1x128x128xf32, #tpu.memory_space<vmem>>
        %parallel_loop3A_316 = tpu.memref_squeeze %parallel_loop3A_315 : memref<1x128x128xf32, #tpu.memory_space<vmem>> -> memref<128x128xf32, #tpu.memory_space<vmem>>
        %parallel_loop3A_317 = arith.index_cast %parallel_loop3A_295 : i32 to index
        %parallel_loop3A_318 = arith.constant 16 : index
        %parallel_loop3A_319 = tpu.vector_load %parallel_loop3A_316[%parallel_loop3A_317, %parallel_loop3A_318] {strides = array<i32>} : memref<128x128xf32, #tpu.memory_space<vmem>>, vector<16xf32>,
        %parallel_loop3A_320 = arith.constant 8.000000e+00 : f32
        %parallel_loop3A_321 = vector.broadcast %parallel_loop3A_320 : f32 to vector<16xf32>
        %parallel_loop3A_322 = arith.mulf %parallel_loop3A_319, %parallel_loop3A_321 : vector<16xf32>
        %parallel_loop3A_323 = arith.constant 0 : i32
        %parallel_loop3A_324 = arith.constant 0 : i32
        %parallel_loop3A_325 = tpu.memref_slice %arg6[%parallel_loop3A_131, %parallel_loop3A_323, %parallel_loop3A_324] : memref<4x128x128xf32, #tpu.memory_space<vmem>> -> memref<1x128x128xf32, #tpu.memory_space<vmem>>
        %parallel_loop3A_326 = tpu.memref_squeeze %parallel_loop3A_325 : memref<1x128x128xf32, #tpu.memory_space<vmem>> -> memref<128x128xf32, #tpu.memory_space<vmem>>
        %parallel_loop3A_327 = arith.index_cast %parallel_loop3A_295 : i32 to index
        %parallel_loop3A_328 = arith.constant 16 : index
        %parallel_loop3A_329 = tpu.vector_load %parallel_loop3A_326[%parallel_loop3A_327, %parallel_loop3A_328] {strides = array<i32>} : memref<128x128xf32, #tpu.memory_space<vmem>>, vector<16xf32>,
        tpu.vector_store %parallel_loop3A_326[%parallel_loop3A_327, %parallel_loop3A_328], %parallel_loop3A_322 {strides = array<i32>} : memref<128x128xf32, #tpu.memory_space<vmem>>, vector<16xf32>,
        %parallel_loop3A_330 = arith.constant 0 : i32
        %parallel_loop3A_331 = arith.constant 0 : i32
        %parallel_loop3A_332 = tpu.memref_slice %arg6[%parallel_loop3A_131, %parallel_loop3A_330, %parallel_loop3A_331] : memref<4x128x128xf32, #tpu.memory_space<vmem>> -> memref<1x128x128xf32, #tpu.memory_space<vmem>>
        %parallel_loop3A_333 = tpu.memref_squeeze %parallel_loop3A_332 : memref<1x128x128xf32, #tpu.memory_space<vmem>> -> memref<128x128xf32, #tpu.memory_space<vmem>>
        %parallel_loop3A_334 = arith.index_cast %parallel_loop3A_295 : i32 to index
        %parallel_loop3A_335 = arith.constant 32 : index
        %parallel_loop3A_336 = tpu.vector_load %parallel_loop3A_333[%parallel_loop3A_334, %parallel_loop3A_335] {strides = array<i32>} : memref<128x128xf32, #tpu.memory_space<vmem>>, vector<16xf32>,
        %parallel_loop3A_337 = arith.constant 8.000000e+00 : f32
        %parallel_loop3A_338 = vector.broadcast %parallel_loop3A_337 : f32 to vector<16xf32>
        %parallel_loop3A_339 = arith.mulf %parallel_loop3A_336, %parallel_loop3A_338 : vector<16xf32>
        %parallel_loop3A_340 = arith.constant 0 : i32
        %parallel_loop3A_341 = arith.constant 0 : i32
        %parallel_loop3A_342 = tpu.memref_slice %arg6[%parallel_loop3A_131, %parallel_loop3A_340, %parallel_loop3A_341] : memref<4x128x128xf32, #tpu.memory_space<vmem>> -> memref<1x128x128xf32, #tpu.memory_space<vmem>>
        %parallel_loop3A_343 = tpu.memref_squeeze %parallel_loop3A_342 : memref<1x128x128xf32, #tpu.memory_space<vmem>> -> memref<128x128xf32, #tpu.memory_space<vmem>>
        %parallel_loop3A_344 = arith.index_cast %parallel_loop3A_295 : i32 to index
        %parallel_loop3A_345 = arith.constant 32 : index
        %parallel_loop3A_346 = tpu.vector_load %parallel_loop3A_343[%parallel_loop3A_344, %parallel_loop3A_345] {strides = array<i32>} : memref<128x128xf32, #tpu.memory_space<vmem>>, vector<16xf32>,
        tpu.vector_store %parallel_loop3A_343[%parallel_loop3A_344, %parallel_loop3A_345], %parallel_loop3A_339 {strides = array<i32>} : memref<128x128xf32, #tpu.memory_space<vmem>>, vector<16xf32>,
        %parallel_loop3A_347 = arith.constant 0 : i32
        %parallel_loop3A_348 = arith.constant 0 : i32
        %parallel_loop3A_349 = tpu.memref_slice %arg6[%parallel_loop3A_131, %parallel_loop3A_347, %parallel_loop3A_348] : memref<4x128x128xf32, #tpu.memory_space<vmem>> -> memref<1x128x128xf32, #tpu.memory_space<vmem>>
        %parallel_loop3A_350 = tpu.memref_squeeze %parallel_loop3A_349 : memref<1x128x128xf32, #tpu.memory_space<vmem>> -> memref<128x128xf32, #tpu.memory_space<vmem>>
        %parallel_loop3A_351 = arith.index_cast %parallel_loop3A_295 : i32 to index
        %parallel_loop3A_352 = arith.constant 48 : index
        %parallel_loop3A_353 = tpu.vector_load %parallel_loop3A_350[%parallel_loop3A_351, %parallel_loop3A_352] {strides = array<i32>} : memref<128x128xf32, #tpu.memory_space<vmem>>, vector<16xf32>,
        %parallel_loop3A_354 = arith.constant 8.000000e+00 : f32
        %parallel_loop3A_355 = vector.broadcast %parallel_loop3A_354 : f32 to vector<16xf32>
        %parallel_loop3A_356 = arith.mulf %parallel_loop3A_353, %parallel_loop3A_355 : vector<16xf32>
        %parallel_loop3A_357 = arith.constant 0 : i32
        %parallel_loop3A_358 = arith.constant 0 : i32
        %parallel_loop3A_359 = tpu.memref_slice %arg6[%parallel_loop3A_131, %parallel_loop3A_357, %parallel_loop3A_358] : memref<4x128x128xf32, #tpu.memory_space<vmem>> -> memref<1x128x128xf32, #tpu.memory_space<vmem>>
        %parallel_loop3A_360 = tpu.memref_squeeze %parallel_loop3A_359 : memref<1x128x128xf32, #tpu.memory_space<vmem>> -> memref<128x128xf32, #tpu.memory_space<vmem>>
        %parallel_loop3A_361 = arith.index_cast %parallel_loop3A_295 : i32 to index
        %parallel_loop3A_362 = arith.constant 48 : index
        %parallel_loop3A_363 = tpu.vector_load %parallel_loop3A_360[%parallel_loop3A_361, %parallel_loop3A_362] {strides = array<i32>} : memref<128x128xf32, #tpu.memory_space<vmem>>, vector<16xf32>,
        tpu.vector_store %parallel_loop3A_360[%parallel_loop3A_361, %parallel_loop3A_362], %parallel_loop3A_356 {strides = array<i32>} : memref<128x128xf32, #tpu.memory_space<vmem>>, vector<16xf32>,
      } {sc.loop_unroll_factor = 4 : i64, sc.parallel_access}
      %add3A_132 = arith.constant 1 : i32
      %add3A_133 = arith.addi %add3A_13, %add3A_132 : i32
      %mul3A_134 = arith.constant 128 : i32
      %mul3A_135 = arith.muli %add3A_133, %mul3A_134 : i32
      %add3A_136 = arith.addi %mul3A_2, %mul3A_135 : i32
      %dma_start3A_137 = arith.constant 1 : i32
      %dma_start3A_138 = arith.constant 1 : i32
      %dma_start3A_139 = arith.constant 0 : i32
      %dma_start3A_140 = arith.constant 0 : i32
      %dma_start3A_141 = tpu.memref_slice %arg6[%dma_start3A_137, %dma_start3A_139, %dma_start3A_140] : memref<4x128x128xf32, #tpu.memory_space<vmem>> -> memref<1x128x128xf32, #tpu.memory_space<vmem>>
      %dma_start3A_142 = tpu.memref_squeeze %dma_start3A_141 : memref<1x128x128xf32, #tpu.memory_space<vmem>> -> memref<128x128xf32, #tpu.memory_space<vmem>>
      %dma_start3A_143 = arith.constant 0 : i32
      %dma_start3A_144 = tpu.memref_slice %arg4[%add3A_136, %dma_start3A_143] : memref<819200x128xf32, #tpu.memory_space<hbm>> -> memref<128x128xf32, #tpu.memory_space<hbm>>
      %dma_start3A_145 = tpu.memref_slice %arg8[%dma_start3A_138] : memref<4x!tpu.dma_semaphore, #tpu.memory_space<semaphore_mem>> -> memref<1x!tpu.dma_semaphore, #tpu.memory_space<semaphore_mem>>
      %dma_start3A_146 = tpu.memref_squeeze %dma_start3A_145 : memref<1x!tpu.dma_semaphore, #tpu.memory_space<semaphore_mem>> -> memref<!tpu.dma_semaphore, #tpu.memory_space<semaphore_mem>>
      %dma_start3A_147 = arith.constant 0 : i32
      %dma_start3A_148 = tpu.memref_slice %arg4[%add3A_136, %dma_start3A_147] : memref<819200x128xf32, #tpu.memory_space<hbm>> -> memref<128x128xf32, #tpu.memory_space<hbm>>
      %dma_start3A_149 = arith.constant 0 : i32
      %dma_start3A_150 = arith.constant 0 : i32
      %dma_start3A_151 = tpu.memref_slice %arg6[%dma_start3A_137, %dma_start3A_149, %dma_start3A_150] : memref<4x128x128xf32, #tpu.memory_space<vmem>> -> memref<1x128x128xf32, #tpu.memory_space<vmem>>
      %dma_start3A_152 = tpu.memref_squeeze %dma_start3A_151 : memref<1x128x128xf32, #tpu.memory_space<vmem>> -> memref<128x128xf32, #tpu.memory_space<vmem>>
      tpu.enqueue_dma source(%dma_start3A_152 : memref<128x128xf32, #tpu.memory_space<vmem>>) target(%dma_start3A_148 : memref<128x128xf32, #tpu.memory_space<hbm>>) target_semaphore(%dma_start3A_146 : memref<!tpu.dma_semaphore, #tpu.memory_space<semaphore_mem>>)
      %dma_wait3A_153 = arith.constant 2 : i32
      %dma_wait3A_154 = arith.constant 2 : i32
      %dma_wait3A_155 = arith.constant 0 : i32
      %dma_wait3A_156 = arith.constant 0 : i32
      %dma_wait3A_157 = tpu.memref_slice %arg6[%dma_wait3A_153, %dma_wait3A_155, %dma_wait3A_156] : memref<4x128x128xf32, #tpu.memory_space<vmem>> -> memref<1x128x128xf32, #tpu.memory_space<vmem>>
      %dma_wait3A_158 = tpu.memref_squeeze %dma_wait3A_157 : memref<1x128x128xf32, #tpu.memory_space<vmem>> -> memref<128x128xf32, #tpu.memory_space<vmem>>
      %dma_wait3A_159 = arith.constant 0 : i32
      %dma_wait3A_160 = tpu.memref_slice %arg5[%add3A_46, %dma_wait3A_159] : memref<200x128xi32, #tpu.memory_space<vmem>> -> memref<1x128xi32, #tpu.memory_space<vmem>>
      %dma_wait3A_161 = tpu.memref_squeeze %dma_wait3A_160 : memref<1x128xi32, #tpu.memory_space<vmem>> -> memref<128xi32, #tpu.memory_space<vmem>>
      %dma_wait3A_162 = arith.constant 0 : i32
      %dma_wait3A_163 = arith.constant 0 : i32
      %dma_wait3A_164 = tpu.memref_slice %arg2[%dma_wait3A_162, %dma_wait3A_163] : memref<1000000x128xf32, #tpu.memory_space<hbm>> -> memref<1000000x128xf32, #tpu.memory_space<hbm>>
      %dma_wait3A_165 = tpu.memref_slice %arg7[%dma_wait3A_154] : memref<4x!tpu.dma_semaphore, #tpu.memory_space<semaphore_mem>> -> memref<1x!tpu.dma_semaphore, #tpu.memory_space<semaphore_mem>>
      %dma_wait3A_166 = tpu.memref_squeeze %dma_wait3A_165 : memref<1x!tpu.dma_semaphore, #tpu.memory_space<semaphore_mem>> -> memref<!tpu.dma_semaphore, #tpu.memory_space<semaphore_mem>>
      tpu.wait_indirect_dma semaphore(%dma_wait3A_166 : memref<!tpu.dma_semaphore, #tpu.memory_space<semaphore_mem>>) src(%dma_wait3A_164 : memref<1000000x128xf32, #tpu.memory_space<hbm>>) dst(%dma_wait3A_158 : memref<128x128xf32, #tpu.memory_space<vmem>>)
      %parallel_loop3A_167 = arith.constant 0 : i32
      %parallel_loop3A_168 = arith.constant 128 : i32
      %parallel_loop3A_169 = arith.constant 1 : i32
      %parallel_loop3A_170 = arith.constant 2 : i32
      scf.for %parallel_loop3A_295 = %parallel_loop3A_167 to %parallel_loop3A_168 step %parallel_loop3A_169  : i32 {
        %parallel_loop3A_296 = arith.constant 0 : i32
        %parallel_loop3A_297 = arith.constant 0 : i32
        %parallel_loop3A_298 = tpu.memref_slice %arg6[%parallel_loop3A_170, %parallel_loop3A_296, %parallel_loop3A_297] : memref<4x128x128xf32, #tpu.memory_space<vmem>> -> memref<1x128x128xf32, #tpu.memory_space<vmem>>
        %parallel_loop3A_299 = tpu.memref_squeeze %parallel_loop3A_298 : memref<1x128x128xf32, #tpu.memory_space<vmem>> -> memref<128x128xf32, #tpu.memory_space<vmem>>
        %parallel_loop3A_300 = arith.index_cast %parallel_loop3A_295 : i32 to index
        %parallel_loop3A_301 = arith.constant 0 : index
        %parallel_loop3A_302 = tpu.vector_load %parallel_loop3A_299[%parallel_loop3A_300, %parallel_loop3A_301] {strides = array<i32>} : memref<128x128xf32, #tpu.memory_space<vmem>>, vector<16xf32>,
        %parallel_loop3A_303 = arith.constant 8.000000e+00 : f32
        %parallel_loop3A_304 = vector.broadcast %parallel_loop3A_303 : f32 to vector<16xf32>
        %parallel_loop3A_305 = arith.mulf %parallel_loop3A_302, %parallel_loop3A_304 : vector<16xf32>
        %parallel_loop3A_306 = arith.constant 0 : i32
        %parallel_loop3A_307 = arith.constant 0 : i32
        %parallel_loop3A_308 = tpu.memref_slice %arg6[%parallel_loop3A_170, %parallel_loop3A_306, %parallel_loop3A_307] : memref<4x128x128xf32, #tpu.memory_space<vmem>> -> memref<1x128x128xf32, #tpu.memory_space<vmem>>
        %parallel_loop3A_309 = tpu.memref_squeeze %parallel_loop3A_308 : memref<1x128x128xf32, #tpu.memory_space<vmem>> -> memref<128x128xf32, #tpu.memory_space<vmem>>
        %parallel_loop3A_310 = arith.index_cast %parallel_loop3A_295 : i32 to index
        %parallel_loop3A_311 = arith.constant 0 : index
        %parallel_loop3A_312 = tpu.vector_load %parallel_loop3A_309[%parallel_loop3A_310, %parallel_loop3A_311] {strides = array<i32>} : memref<128x128xf32, #tpu.memory_space<vmem>>, vector<16xf32>,
        tpu.vector_store %parallel_loop3A_309[%parallel_loop3A_310, %parallel_loop3A_311], %parallel_loop3A_305 {strides = array<i32>} : memref<128x128xf32, #tpu.memory_space<vmem>>, vector<16xf32>,
        %parallel_loop3A_313 = arith.constant 0 : i32
        %parallel_loop3A_314 = arith.constant 0 : i32
        %parallel_loop3A_315 = tpu.memref_slice %arg6[%parallel_loop3A_170, %parallel_loop3A_313, %parallel_loop3A_314] : memref<4x128x128xf32, #tpu.memory_space<vmem>> -> memref<1x128x128xf32, #tpu.memory_space<vmem>>
        %parallel_loop3A_316 = tpu.memref_squeeze %parallel_loop3A_315 : memref<1x128x128xf32, #tpu.memory_space<vmem>> -> memref<128x128xf32, #tpu.memory_space<vmem>>
        %parallel_loop3A_317 = arith.index_cast %parallel_loop3A_295 : i32 to index
        %parallel_loop3A_318 = arith.constant 16 : index
        %parallel_loop3A_319 = tpu.vector_load %parallel_loop3A_316[%parallel_loop3A_317, %parallel_loop3A_318] {strides = array<i32>} : memref<128x128xf32, #tpu.memory_space<vmem>>, vector<16xf32>,
        %parallel_loop3A_320 = arith.constant 8.000000e+00 : f32
        %parallel_loop3A_321 = vector.broadcast %parallel_loop3A_320 : f32 to vector<16xf32>
        %parallel_loop3A_322 = arith.mulf %parallel_loop3A_319, %parallel_loop3A_321 : vector<16xf32>
        %parallel_loop3A_323 = arith.constant 0 : i32
        %parallel_loop3A_324 = arith.constant 0 : i32
        %parallel_loop3A_325 = tpu.memref_slice %arg6[%parallel_loop3A_170, %parallel_loop3A_323, %parallel_loop3A_324] : memref<4x128x128xf32, #tpu.memory_space<vmem>> -> memref<1x128x128xf32, #tpu.memory_space<vmem>>
        %parallel_loop3A_326 = tpu.memref_squeeze %parallel_loop3A_325 : memref<1x128x128xf32, #tpu.memory_space<vmem>> -> memref<128x128xf32, #tpu.memory_space<vmem>>
        %parallel_loop3A_327 = arith.index_cast %parallel_loop3A_295 : i32 to index
        %parallel_loop3A_328 = arith.constant 16 : index
        %parallel_loop3A_329 = tpu.vector_load %parallel_loop3A_326[%parallel_loop3A_327, %parallel_loop3A_328] {strides = array<i32>} : memref<128x128xf32, #tpu.memory_space<vmem>>, vector<16xf32>,
        tpu.vector_store %parallel_loop3A_326[%parallel_loop3A_327, %parallel_loop3A_328], %parallel_loop3A_322 {strides = array<i32>} : memref<128x128xf32, #tpu.memory_space<vmem>>, vector<16xf32>,
        %parallel_loop3A_330 = arith.constant 0 : i32
        %parallel_loop3A_331 = arith.constant 0 : i32
        %parallel_loop3A_332 = tpu.memref_slice %arg6[%parallel_loop3A_170, %parallel_loop3A_330, %parallel_loop3A_331] : memref<4x128x128xf32, #tpu.memory_space<vmem>> -> memref<1x128x128xf32, #tpu.memory_space<vmem>>
        %parallel_loop3A_333 = tpu.memref_squeeze %parallel_loop3A_332 : memref<1x128x128xf32, #tpu.memory_space<vmem>> -> memref<128x128xf32, #tpu.memory_space<vmem>>
        %parallel_loop3A_334 = arith.index_cast %parallel_loop3A_295 : i32 to index
        %parallel_loop3A_335 = arith.constant 32 : index
        %parallel_loop3A_336 = tpu.vector_load %parallel_loop3A_333[%parallel_loop3A_334, %parallel_loop3A_335] {strides = array<i32>} : memref<128x128xf32, #tpu.memory_space<vmem>>, vector<16xf32>,
        %parallel_loop3A_337 = arith.constant 8.000000e+00 : f32
        %parallel_loop3A_338 = vector.broadcast %parallel_loop3A_337 : f32 to vector<16xf32>
        %parallel_loop3A_339 = arith.mulf %parallel_loop3A_336, %parallel_loop3A_338 : vector<16xf32>
        %parallel_loop3A_340 = arith.constant 0 : i32
        %parallel_loop3A_341 = arith.constant 0 : i32
        %parallel_loop3A_342 = tpu.memref_slice %arg6[%parallel_loop3A_170, %parallel_loop3A_340, %parallel_loop3A_341] : memref<4x128x128xf32, #tpu.memory_space<vmem>> -> memref<1x128x128xf32, #tpu.memory_space<vmem>>
        %parallel_loop3A_343 = tpu.memref_squeeze %parallel_loop3A_342 : memref<1x128x128xf32, #tpu.memory_space<vmem>> -> memref<128x128xf32, #tpu.memory_space<vmem>>
        %parallel_loop3A_344 = arith.index_cast %parallel_loop3A_295 : i32 to index
        %parallel_loop3A_345 = arith.constant 32 : index
        %parallel_loop3A_346 = tpu.vector_load %parallel_loop3A_343[%parallel_loop3A_344, %parallel_loop3A_345] {strides = array<i32>} : memref<128x128xf32, #tpu.memory_space<vmem>>, vector<16xf32>,
        tpu.vector_store %parallel_loop3A_343[%parallel_loop3A_344, %parallel_loop3A_345], %parallel_loop3A_339 {strides = array<i32>} : memref<128x128xf32, #tpu.memory_space<vmem>>, vector<16xf32>,
        %parallel_loop3A_347 = arith.constant 0 : i32
        %parallel_loop3A_348 = arith.constant 0 : i32
        %parallel_loop3A_349 = tpu.memref_slice %arg6[%parallel_loop3A_170, %parallel_loop3A_347, %parallel_loop3A_348] : memref<4x128x128xf32, #tpu.memory_space<vmem>> -> memref<1x128x128xf32, #tpu.memory_space<vmem>>
        %parallel_loop3A_350 = tpu.memref_squeeze %parallel_loop3A_349 : memref<1x128x128xf32, #tpu.memory_space<vmem>> -> memref<128x128xf32, #tpu.memory_space<vmem>>
        %parallel_loop3A_351 = arith.index_cast %parallel_loop3A_295 : i32 to index
        %parallel_loop3A_352 = arith.constant 48 : index
        %parallel_loop3A_353 = tpu.vector_load %parallel_loop3A_350[%parallel_loop3A_351, %parallel_loop3A_352] {strides = array<i32>} : memref<128x128xf32, #tpu.memory_space<vmem>>, vector<16xf32>,
        %parallel_loop3A_354 = arith.constant 8.000000e+00 : f32
        %parallel_loop3A_355 = vector.broadcast %parallel_loop3A_354 : f32 to vector<16xf32>
        %parallel_loop3A_356 = arith.mulf %parallel_loop3A_353, %parallel_loop3A_355 : vector<16xf32>
        %parallel_loop3A_357 = arith.constant 0 : i32
        %parallel_loop3A_358 = arith.constant 0 : i32
        %parallel_loop3A_359 = tpu.memref_slice %arg6[%parallel_loop3A_170, %parallel_loop3A_357, %parallel_loop3A_358] : memref<4x128x128xf32, #tpu.memory_space<vmem>> -> memref<1x128x128xf32, #tpu.memory_space<vmem>>
        %parallel_loop3A_360 = tpu.memref_squeeze %parallel_loop3A_359 : memref<1x128x128xf32, #tpu.memory_space<vmem>> -> memref<128x128xf32, #tpu.memory_space<vmem>>
        %parallel_loop3A_361 = arith.index_cast %parallel_loop3A_295 : i32 to index
        %parallel_loop3A_362 = arith.constant 48 : index
        %parallel_loop3A_363 = tpu.vector_load %parallel_loop3A_360[%parallel_loop3A_361, %parallel_loop3A_362] {strides = array<i32>} : memref<128x128xf32, #tpu.memory_space<vmem>>, vector<16xf32>,
        tpu.vector_store %parallel_loop3A_360[%parallel_loop3A_361, %parallel_loop3A_362], %parallel_loop3A_356 {strides = array<i32>} : memref<128x128xf32, #tpu.memory_space<vmem>>, vector<16xf32>,
      } {sc.loop_unroll_factor = 4 : i64, sc.parallel_access}
      %add3A_171 = arith.constant 2 : i32
      %add3A_172 = arith.addi %add3A_13, %add3A_171 : i32
      %mul3A_173 = arith.constant 128 : i32
      %mul3A_174 = arith.muli %add3A_172, %mul3A_173 : i32
      %add3A_175 = arith.addi %mul3A_2, %mul3A_174 : i32
      %dma_start3A_176 = arith.constant 2 : i32
      %dma_start3A_177 = arith.constant 2 : i32
      %dma_start3A_178 = arith.constant 0 : i32
      %dma_start3A_179 = arith.constant 0 : i32
      %dma_start3A_180 = tpu.memref_slice %arg6[%dma_start3A_176, %dma_start3A_178, %dma_start3A_179] : memref<4x128x128xf32, #tpu.memory_space<vmem>> -> memref<1x128x128xf32, #tpu.memory_space<vmem>>
      %dma_start3A_181 = tpu.memref_squeeze %dma_start3A_180 : memref<1x128x128xf32, #tpu.memory_space<vmem>> -> memref<128x128xf32, #tpu.memory_space<vmem>>
      %dma_start3A_182 = arith.constant 0 : i32
      %dma_start3A_183 = tpu.memref_slice %arg4[%add3A_175, %dma_start3A_182] : memref<819200x128xf32, #tpu.memory_space<hbm>> -> memref<128x128xf32, #tpu.memory_space<hbm>>
      %dma_start3A_184 = tpu.memref_slice %arg8[%dma_start3A_177] : memref<4x!tpu.dma_semaphore, #tpu.memory_space<semaphore_mem>> -> memref<1x!tpu.dma_semaphore, #tpu.memory_space<semaphore_mem>>
      %dma_start3A_185 = tpu.memref_squeeze %dma_start3A_184 : memref<1x!tpu.dma_semaphore, #tpu.memory_space<semaphore_mem>> -> memref<!tpu.dma_semaphore, #tpu.memory_space<semaphore_mem>>
      %dma_start3A_186 = arith.constant 0 : i32
      %dma_start3A_187 = tpu.memref_slice %arg4[%add3A_175, %dma_start3A_186] : memref<819200x128xf32, #tpu.memory_space<hbm>> -> memref<128x128xf32, #tpu.memory_space<hbm>>
      %dma_start3A_188 = arith.constant 0 : i32
      %dma_start3A_189 = arith.constant 0 : i32
      %dma_start3A_190 = tpu.memref_slice %arg6[%dma_start3A_176, %dma_start3A_188, %dma_start3A_189] : memref<4x128x128xf32, #tpu.memory_space<vmem>> -> memref<1x128x128xf32, #tpu.memory_space<vmem>>
      %dma_start3A_191 = tpu.memref_squeeze %dma_start3A_190 : memref<1x128x128xf32, #tpu.memory_space<vmem>> -> memref<128x128xf32, #tpu.memory_space<vmem>>
      tpu.enqueue_dma source(%dma_start3A_191 : memref<128x128xf32, #tpu.memory_space<vmem>>) target(%dma_start3A_187 : memref<128x128xf32, #tpu.memory_space<hbm>>) target_semaphore(%dma_start3A_185 : memref<!tpu.dma_semaphore, #tpu.memory_space<semaphore_mem>>)
      %dma_wait3A_192 = arith.constant 3 : i32
      %dma_wait3A_193 = arith.constant 3 : i32
      %dma_wait3A_194 = arith.constant 0 : i32
      %dma_wait3A_195 = arith.constant 0 : i32
      %dma_wait3A_196 = tpu.memref_slice %arg6[%dma_wait3A_192, %dma_wait3A_194, %dma_wait3A_195] : memref<4x128x128xf32, #tpu.memory_space<vmem>> -> memref<1x128x128xf32, #tpu.memory_space<vmem>>
      %dma_wait3A_197 = tpu.memref_squeeze %dma_wait3A_196 : memref<1x128x128xf32, #tpu.memory_space<vmem>> -> memref<128x128xf32, #tpu.memory_space<vmem>>
      %dma_wait3A_198 = arith.constant 0 : i32
      %dma_wait3A_199 = tpu.memref_slice %arg5[%add3A_62, %dma_wait3A_198] : memref<200x128xi32, #tpu.memory_space<vmem>> -> memref<1x128xi32, #tpu.memory_space<vmem>>
      %dma_wait3A_200 = tpu.memref_squeeze %dma_wait3A_199 : memref<1x128xi32, #tpu.memory_space<vmem>> -> memref<128xi32, #tpu.memory_space<vmem>>
      %dma_wait3A_201 = arith.constant 0 : i32
      %dma_wait3A_202 = arith.constant 0 : i32
      %dma_wait3A_203 = tpu.memref_slice %arg2[%dma_wait3A_201, %dma_wait3A_202] : memref<1000000x128xf32, #tpu.memory_space<hbm>> -> memref<1000000x128xf32, #tpu.memory_space<hbm>>
      %dma_wait3A_204 = tpu.memref_slice %arg7[%dma_wait3A_193] : memref<4x!tpu.dma_semaphore, #tpu.memory_space<semaphore_mem>> -> memref<1x!tpu.dma_semaphore, #tpu.memory_space<semaphore_mem>>
      %dma_wait3A_205 = tpu.memref_squeeze %dma_wait3A_204 : memref<1x!tpu.dma_semaphore, #tpu.memory_space<semaphore_mem>> -> memref<!tpu.dma_semaphore, #tpu.memory_space<semaphore_mem>>
      tpu.wait_indirect_dma semaphore(%dma_wait3A_205 : memref<!tpu.dma_semaphore, #tpu.memory_space<semaphore_mem>>) src(%dma_wait3A_203 : memref<1000000x128xf32, #tpu.memory_space<hbm>>) dst(%dma_wait3A_197 : memref<128x128xf32, #tpu.memory_space<vmem>>)
      %parallel_loop3A_206 = arith.constant 0 : i32
      %parallel_loop3A_207 = arith.constant 128 : i32
      %parallel_loop3A_208 = arith.constant 1 : i32
      %parallel_loop3A_209 = arith.constant 3 : i32
      scf.for %parallel_loop3A_295 = %parallel_loop3A_206 to %parallel_loop3A_207 step %parallel_loop3A_208  : i32 {
        %parallel_loop3A_296 = arith.constant 0 : i32
        %parallel_loop3A_297 = arith.constant 0 : i32
        %parallel_loop3A_298 = tpu.memref_slice %arg6[%parallel_loop3A_209, %parallel_loop3A_296, %parallel_loop3A_297] : memref<4x128x128xf32, #tpu.memory_space<vmem>> -> memref<1x128x128xf32, #tpu.memory_space<vmem>>
        %parallel_loop3A_299 = tpu.memref_squeeze %parallel_loop3A_298 : memref<1x128x128xf32, #tpu.memory_space<vmem>> -> memref<128x128xf32, #tpu.memory_space<vmem>>
        %parallel_loop3A_300 = arith.index_cast %parallel_loop3A_295 : i32 to index
        %parallel_loop3A_301 = arith.constant 0 : index
        %parallel_loop3A_302 = tpu.vector_load %parallel_loop3A_299[%parallel_loop3A_300, %parallel_loop3A_301] {strides = array<i32>} : memref<128x128xf32, #tpu.memory_space<vmem>>, vector<16xf32>,
        %parallel_loop3A_303 = arith.constant 8.000000e+00 : f32
        %parallel_loop3A_304 = vector.broadcast %parallel_loop3A_303 : f32 to vector<16xf32>
        %parallel_loop3A_305 = arith.mulf %parallel_loop3A_302, %parallel_loop3A_304 : vector<16xf32>
        %parallel_loop3A_306 = arith.constant 0 : i32
        %parallel_loop3A_307 = arith.constant 0 : i32
        %parallel_loop3A_308 = tpu.memref_slice %arg6[%parallel_loop3A_209, %parallel_loop3A_306, %parallel_loop3A_307] : memref<4x128x128xf32, #tpu.memory_space<vmem>> -> memref<1x128x128xf32, #tpu.memory_space<vmem>>
        %parallel_loop3A_309 = tpu.memref_squeeze %parallel_loop3A_308 : memref<1x128x128xf32, #tpu.memory_space<vmem>> -> memref<128x128xf32, #tpu.memory_space<vmem>>
        %parallel_loop3A_310 = arith.index_cast %parallel_loop3A_295 : i32 to index
        %parallel_loop3A_311 = arith.constant 0 : index
        %parallel_loop3A_312 = tpu.vector_load %parallel_loop3A_309[%parallel_loop3A_310, %parallel_loop3A_311] {strides = array<i32>} : memref<128x128xf32, #tpu.memory_space<vmem>>, vector<16xf32>,
        tpu.vector_store %parallel_loop3A_309[%parallel_loop3A_310, %parallel_loop3A_311], %parallel_loop3A_305 {strides = array<i32>} : memref<128x128xf32, #tpu.memory_space<vmem>>, vector<16xf32>,
        %parallel_loop3A_313 = arith.constant 0 : i32
        %parallel_loop3A_314 = arith.constant 0 : i32
        %parallel_loop3A_315 = tpu.memref_slice %arg6[%parallel_loop3A_209, %parallel_loop3A_313, %parallel_loop3A_314] : memref<4x128x128xf32, #tpu.memory_space<vmem>> -> memref<1x128x128xf32, #tpu.memory_space<vmem>>
        %parallel_loop3A_316 = tpu.memref_squeeze %parallel_loop3A_315 : memref<1x128x128xf32, #tpu.memory_space<vmem>> -> memref<128x128xf32, #tpu.memory_space<vmem>>
        %parallel_loop3A_317 = arith.index_cast %parallel_loop3A_295 : i32 to index
        %parallel_loop3A_318 = arith.constant 16 : index
        %parallel_loop3A_319 = tpu.vector_load %parallel_loop3A_316[%parallel_loop3A_317, %parallel_loop3A_318] {strides = array<i32>} : memref<128x128xf32, #tpu.memory_space<vmem>>, vector<16xf32>,
        %parallel_loop3A_320 = arith.constant 8.000000e+00 : f32
        %parallel_loop3A_321 = vector.broadcast %parallel_loop3A_320 : f32 to vector<16xf32>
        %parallel_loop3A_322 = arith.mulf %parallel_loop3A_319, %parallel_loop3A_321 : vector<16xf32>
        %parallel_loop3A_323 = arith.constant 0 : i32
        %parallel_loop3A_324 = arith.constant 0 : i32
        %parallel_loop3A_325 = tpu.memref_slice %arg6[%parallel_loop3A_209, %parallel_loop3A_323, %parallel_loop3A_324] : memref<4x128x128xf32, #tpu.memory_space<vmem>> -> memref<1x128x128xf32, #tpu.memory_space<vmem>>
        %parallel_loop3A_326 = tpu.memref_squeeze %parallel_loop3A_325 : memref<1x128x128xf32, #tpu.memory_space<vmem>> -> memref<128x128xf32, #tpu.memory_space<vmem>>
        %parallel_loop3A_327 = arith.index_cast %parallel_loop3A_295 : i32 to index
        %parallel_loop3A_328 = arith.constant 16 : index
        %parallel_loop3A_329 = tpu.vector_load %parallel_loop3A_326[%parallel_loop3A_327, %parallel_loop3A_328] {strides = array<i32>} : memref<128x128xf32, #tpu.memory_space<vmem>>, vector<16xf32>,
        tpu.vector_store %parallel_loop3A_326[%parallel_loop3A_327, %parallel_loop3A_328], %parallel_loop3A_322 {strides = array<i32>} : memref<128x128xf32, #tpu.memory_space<vmem>>, vector<16xf32>,
        %parallel_loop3A_330 = arith.constant 0 : i32
        %parallel_loop3A_331 = arith.constant 0 : i32
        %parallel_loop3A_332 = tpu.memref_slice %arg6[%parallel_loop3A_209, %parallel_loop3A_330, %parallel_loop3A_331] : memref<4x128x128xf32, #tpu.memory_space<vmem>> -> memref<1x128x128xf32, #tpu.memory_space<vmem>>
        %parallel_loop3A_333 = tpu.memref_squeeze %parallel_loop3A_332 : memref<1x128x128xf32, #tpu.memory_space<vmem>> -> memref<128x128xf32, #tpu.memory_space<vmem>>
        %parallel_loop3A_334 = arith.index_cast %parallel_loop3A_295 : i32 to index
        %parallel_loop3A_335 = arith.constant 32 : index
        %parallel_loop3A_336 = tpu.vector_load %parallel_loop3A_333[%parallel_loop3A_334, %parallel_loop3A_335] {strides = array<i32>} : memref<128x128xf32, #tpu.memory_space<vmem>>, vector<16xf32>,
        %parallel_loop3A_337 = arith.constant 8.000000e+00 : f32
        %parallel_loop3A_338 = vector.broadcast %parallel_loop3A_337 : f32 to vector<16xf32>
        %parallel_loop3A_339 = arith.mulf %parallel_loop3A_336, %parallel_loop3A_338 : vector<16xf32>
        %parallel_loop3A_340 = arith.constant 0 : i32
        %parallel_loop3A_341 = arith.constant 0 : i32
        %parallel_loop3A_342 = tpu.memref_slice %arg6[%parallel_loop3A_209, %parallel_loop3A_340, %parallel_loop3A_341] : memref<4x128x128xf32, #tpu.memory_space<vmem>> -> memref<1x128x128xf32, #tpu.memory_space<vmem>>
        %parallel_loop3A_343 = tpu.memref_squeeze %parallel_loop3A_342 : memref<1x128x128xf32, #tpu.memory_space<vmem>> -> memref<128x128xf32, #tpu.memory_space<vmem>>
        %parallel_loop3A_344 = arith.index_cast %parallel_loop3A_295 : i32 to index
        %parallel_loop3A_345 = arith.constant 32 : index
        %parallel_loop3A_346 = tpu.vector_load %parallel_loop3A_343[%parallel_loop3A_344, %parallel_loop3A_345] {strides = array<i32>} : memref<128x128xf32, #tpu.memory_space<vmem>>, vector<16xf32>,
        tpu.vector_store %parallel_loop3A_343[%parallel_loop3A_344, %parallel_loop3A_345], %parallel_loop3A_339 {strides = array<i32>} : memref<128x128xf32, #tpu.memory_space<vmem>>, vector<16xf32>,
        %parallel_loop3A_347 = arith.constant 0 : i32
        %parallel_loop3A_348 = arith.constant 0 : i32
        %parallel_loop3A_349 = tpu.memref_slice %arg6[%parallel_loop3A_209, %parallel_loop3A_347, %parallel_loop3A_348] : memref<4x128x128xf32, #tpu.memory_space<vmem>> -> memref<1x128x128xf32, #tpu.memory_space<vmem>>
        %parallel_loop3A_350 = tpu.memref_squeeze %parallel_loop3A_349 : memref<1x128x128xf32, #tpu.memory_space<vmem>> -> memref<128x128xf32, #tpu.memory_space<vmem>>
        %parallel_loop3A_351 = arith.index_cast %parallel_loop3A_295 : i32 to index
        %parallel_loop3A_352 = arith.constant 48 : index
        %parallel_loop3A_353 = tpu.vector_load %parallel_loop3A_350[%parallel_loop3A_351, %parallel_loop3A_352] {strides = array<i32>} : memref<128x128xf32, #tpu.memory_space<vmem>>, vector<16xf32>,
        %parallel_loop3A_354 = arith.constant 8.000000e+00 : f32
        %parallel_loop3A_355 = vector.broadcast %parallel_loop3A_354 : f32 to vector<16xf32>
        %parallel_loop3A_356 = arith.mulf %parallel_loop3A_353, %parallel_loop3A_355 : vector<16xf32>
        %parallel_loop3A_357 = arith.constant 0 : i32
        %parallel_loop3A_358 = arith.constant 0 : i32
        %parallel_loop3A_359 = tpu.memref_slice %arg6[%parallel_loop3A_209, %parallel_loop3A_357, %parallel_loop3A_358] : memref<4x128x128xf32, #tpu.memory_space<vmem>> -> memref<1x128x128xf32, #tpu.memory_space<vmem>>
        %parallel_loop3A_360 = tpu.memref_squeeze %parallel_loop3A_359 : memref<1x128x128xf32, #tpu.memory_space<vmem>> -> memref<128x128xf32, #tpu.memory_space<vmem>>
        %parallel_loop3A_361 = arith.index_cast %parallel_loop3A_295 : i32 to index
        %parallel_loop3A_362 = arith.constant 48 : index
        %parallel_loop3A_363 = tpu.vector_load %parallel_loop3A_360[%parallel_loop3A_361, %parallel_loop3A_362] {strides = array<i32>} : memref<128x128xf32, #tpu.memory_space<vmem>>, vector<16xf32>,
        tpu.vector_store %parallel_loop3A_360[%parallel_loop3A_361, %parallel_loop3A_362], %parallel_loop3A_356 {strides = array<i32>} : memref<128x128xf32, #tpu.memory_space<vmem>>, vector<16xf32>,
      } {sc.loop_unroll_factor = 4 : i64, sc.parallel_access}
      %add3A_210 = arith.constant 3 : i32
      %add3A_211 = arith.addi %add3A_13, %add3A_210 : i32
      %mul3A_212 = arith.constant 128 : i32
      %mul3A_213 = arith.muli %add3A_211, %mul3A_212 : i32
      %add3A_214 = arith.addi %mul3A_2, %mul3A_213 : i32
      %dma_start3A_215 = arith.constant 3 : i32
      %dma_start3A_216 = arith.constant 3 : i32
      %dma_start3A_217 = arith.constant 0 : i32
      %dma_start3A_218 = arith.constant 0 : i32
      %dma_start3A_219 = tpu.memref_slice %arg6[%dma_start3A_215, %dma_start3A_217, %dma_start3A_218] : memref<4x128x128xf32, #tpu.memory_space<vmem>> -> memref<1x128x128xf32, #tpu.memory_space<vmem>>
      %dma_start3A_220 = tpu.memref_squeeze %dma_start3A_219 : memref<1x128x128xf32, #tpu.memory_space<vmem>> -> memref<128x128xf32, #tpu.memory_space<vmem>>
      %dma_start3A_221 = arith.constant 0 : i32
      %dma_start3A_222 = tpu.memref_slice %arg4[%add3A_214, %dma_start3A_221] : memref<819200x128xf32, #tpu.memory_space<hbm>> -> memref<128x128xf32, #tpu.memory_space<hbm>>
      %dma_start3A_223 = tpu.memref_slice %arg8[%dma_start3A_216] : memref<4x!tpu.dma_semaphore, #tpu.memory_space<semaphore_mem>> -> memref<1x!tpu.dma_semaphore, #tpu.memory_space<semaphore_mem>>
      %dma_start3A_224 = tpu.memref_squeeze %dma_start3A_223 : memref<1x!tpu.dma_semaphore, #tpu.memory_space<semaphore_mem>> -> memref<!tpu.dma_semaphore, #tpu.memory_space<semaphore_mem>>
      %dma_start3A_225 = arith.constant 0 : i32
      %dma_start3A_226 = tpu.memref_slice %arg4[%add3A_214, %dma_start3A_225] : memref<819200x128xf32, #tpu.memory_space<hbm>> -> memref<128x128xf32, #tpu.memory_space<hbm>>
      %dma_start3A_227 = arith.constant 0 : i32
      %dma_start3A_228 = arith.constant 0 : i32
      %dma_start3A_229 = tpu.memref_slice %arg6[%dma_start3A_215, %dma_start3A_227, %dma_start3A_228] : memref<4x128x128xf32, #tpu.memory_space<vmem>> -> memref<1x128x128xf32, #tpu.memory_space<vmem>>
      %dma_start3A_230 = tpu.memref_squeeze %dma_start3A_229 : memref<1x128x128xf32, #tpu.memory_space<vmem>> -> memref<128x128xf32, #tpu.memory_space<vmem>>
      tpu.enqueue_dma source(%dma_start3A_230 : memref<128x128xf32, #tpu.memory_space<vmem>>) target(%dma_start3A_226 : memref<128x128xf32, #tpu.memory_space<hbm>>) target_semaphore(%dma_start3A_224 : memref<!tpu.dma_semaphore, #tpu.memory_space<semaphore_mem>>)
      %dma_wait3A_231 = arith.constant 0 : i32
      %dma_wait3A_232 = arith.constant 0 : i32
      %dma_wait3A_233 = arith.constant 0 : i32
      %dma_wait3A_234 = arith.constant 0 : i32
      %dma_wait3A_235 = tpu.memref_slice %arg6[%dma_wait3A_231, %dma_wait3A_233, %dma_wait3A_234] : memref<4x128x128xf32, #tpu.memory_space<vmem>> -> memref<1x128x128xf32, #tpu.memory_space<vmem>>
      %dma_wait3A_236 = tpu.memref_squeeze %dma_wait3A_235 : memref<1x128x128xf32, #tpu.memory_space<vmem>> -> memref<128x128xf32, #tpu.memory_space<vmem>>
      %dma_wait3A_237 = arith.constant 0 : i32
      %dma_wait3A_238 = tpu.memref_slice %arg4[%add3A_97, %dma_wait3A_237] : memref<819200x128xf32, #tpu.memory_space<hbm>> -> memref<128x128xf32, #tpu.memory_space<hbm>>
      %dma_wait3A_239 = tpu.memref_slice %arg8[%dma_wait3A_232] : memref<4x!tpu.dma_semaphore, #tpu.memory_space<semaphore_mem>> -> memref<1x!tpu.dma_semaphore, #tpu.memory_space<semaphore_mem>>
      %dma_wait3A_240 = tpu.memref_squeeze %dma_wait3A_239 : memref<1x!tpu.dma_semaphore, #tpu.memory_space<semaphore_mem>> -> memref<!tpu.dma_semaphore, #tpu.memory_space<semaphore_mem>>
      %dma_wait3A_241 = arith.constant 0 : i32
      %dma_wait3A_242 = tpu.memref_slice %arg4[%add3A_97, %dma_wait3A_241] : memref<819200x128xf32, #tpu.memory_space<hbm>> -> memref<128x128xf32, #tpu.memory_space<hbm>>
      %dma_wait3A_243 = arith.constant 0 : i32
      %dma_wait3A_244 = arith.constant 0 : i32
      %dma_wait3A_245 = tpu.memref_slice %arg6[%dma_wait3A_231, %dma_wait3A_243, %dma_wait3A_244] : memref<4x128x128xf32, #tpu.memory_space<vmem>> -> memref<1x128x128xf32, #tpu.memory_space<vmem>>
      %dma_wait3A_246 = tpu.memref_squeeze %dma_wait3A_245 : memref<1x128x128xf32, #tpu.memory_space<vmem>> -> memref<128x128xf32, #tpu.memory_space<vmem>>
      tpu.wait_dma2 semaphore(%dma_wait3A_240 : memref<!tpu.dma_semaphore, #tpu.memory_space<semaphore_mem>>) src(%dma_wait3A_246 : memref<128x128xf32, #tpu.memory_space<vmem>>) dst(%dma_wait3A_242 : memref<128x128xf32, #tpu.memory_space<hbm>>)
      %dma_wait3A_247 = arith.constant 1 : i32
      %dma_wait3A_248 = arith.constant 1 : i32
      %dma_wait3A_249 = arith.constant 0 : i32
      %dma_wait3A_250 = arith.constant 0 : i32
      %dma_wait3A_251 = tpu.memref_slice %arg6[%dma_wait3A_247, %dma_wait3A_249, %dma_wait3A_250] : memref<4x128x128xf32, #tpu.memory_space<vmem>> -> memref<1x128x128xf32, #tpu.memory_space<vmem>>
      %dma_wait3A_252 = tpu.memref_squeeze %dma_wait3A_251 : memref<1x128x128xf32, #tpu.memory_space<vmem>> -> memref<128x128xf32, #tpu.memory_space<vmem>>
      %dma_wait3A_253 = arith.constant 0 : i32
      %dma_wait3A_254 = tpu.memref_slice %arg4[%add3A_136, %dma_wait3A_253] : memref<819200x128xf32, #tpu.memory_space<hbm>> -> memref<128x128xf32, #tpu.memory_space<hbm>>
      %dma_wait3A_255 = tpu.memref_slice %arg8[%dma_wait3A_248] : memref<4x!tpu.dma_semaphore, #tpu.memory_space<semaphore_mem>> -> memref<1x!tpu.dma_semaphore, #tpu.memory_space<semaphore_mem>>
      %dma_wait3A_256 = tpu.memref_squeeze %dma_wait3A_255 : memref<1x!tpu.dma_semaphore, #tpu.memory_space<semaphore_mem>> -> memref<!tpu.dma_semaphore, #tpu.memory_space<semaphore_mem>>
      %dma_wait3A_257 = arith.constant 0 : i32
      %dma_wait3A_258 = tpu.memref_slice %arg4[%add3A_136, %dma_wait3A_257] : memref<819200x128xf32, #tpu.memory_space<hbm>> -> memref<128x128xf32, #tpu.memory_space<hbm>>
      %dma_wait3A_259 = arith.constant 0 : i32
      %dma_wait3A_260 = arith.constant 0 : i32
      %dma_wait3A_261 = tpu.memref_slice %arg6[%dma_wait3A_247, %dma_wait3A_259, %dma_wait3A_260] : memref<4x128x128xf32, #tpu.memory_space<vmem>> -> memref<1x128x128xf32, #tpu.memory_space<vmem>>
      %dma_wait3A_262 = tpu.memref_squeeze %dma_wait3A_261 : memref<1x128x128xf32, #tpu.memory_space<vmem>> -> memref<128x128xf32, #tpu.memory_space<vmem>>
      tpu.wait_dma2 semaphore(%dma_wait3A_256 : memref<!tpu.dma_semaphore, #tpu.memory_space<semaphore_mem>>) src(%dma_wait3A_262 : memref<128x128xf32, #tpu.memory_space<vmem>>) dst(%dma_wait3A_258 : memref<128x128xf32, #tpu.memory_space<hbm>>)
      %dma_wait3A_263 = arith.constant 2 : i32
      %dma_wait3A_264 = arith.constant 2 : i32
      %dma_wait3A_265 = arith.constant 0 : i32
      %dma_wait3A_266 = arith.constant 0 : i32
      %dma_wait3A_267 = tpu.memref_slice %arg6[%dma_wait3A_263, %dma_wait3A_265, %dma_wait3A_266] : memref<4x128x128xf32, #tpu.memory_space<vmem>> -> memref<1x128x128xf32, #tpu.memory_space<vmem>>
      %dma_wait3A_268 = tpu.memref_squeeze %dma_wait3A_267 : memref<1x128x128xf32, #tpu.memory_space<vmem>> -> memref<128x128xf32, #tpu.memory_space<vmem>>
      %dma_wait3A_269 = arith.constant 0 : i32
      %dma_wait3A_270 = tpu.memref_slice %arg4[%add3A_175, %dma_wait3A_269] : memref<819200x128xf32, #tpu.memory_space<hbm>> -> memref<128x128xf32, #tpu.memory_space<hbm>>
      %dma_wait3A_271 = tpu.memref_slice %arg8[%dma_wait3A_264] : memref<4x!tpu.dma_semaphore, #tpu.memory_space<semaphore_mem>> -> memref<1x!tpu.dma_semaphore, #tpu.memory_space<semaphore_mem>>
      %dma_wait3A_272 = tpu.memref_squeeze %dma_wait3A_271 : memref<1x!tpu.dma_semaphore, #tpu.memory_space<semaphore_mem>> -> memref<!tpu.dma_semaphore, #tpu.memory_space<semaphore_mem>>
      %dma_wait3A_273 = arith.constant 0 : i32
      %dma_wait3A_274 = tpu.memref_slice %arg4[%add3A_175, %dma_wait3A_273] : memref<819200x128xf32, #tpu.memory_space<hbm>> -> memref<128x128xf32, #tpu.memory_space<hbm>>
      %dma_wait3A_275 = arith.constant 0 : i32
      %dma_wait3A_276 = arith.constant 0 : i32
      %dma_wait3A_277 = tpu.memref_slice %arg6[%dma_wait3A_263, %dma_wait3A_275, %dma_wait3A_276] : memref<4x128x128xf32, #tpu.memory_space<vmem>> -> memref<1x128x128xf32, #tpu.memory_space<vmem>>
      %dma_wait3A_278 = tpu.memref_squeeze %dma_wait3A_277 : memref<1x128x128xf32, #tpu.memory_space<vmem>> -> memref<128x128xf32, #tpu.memory_space<vmem>>
      tpu.wait_dma2 semaphore(%dma_wait3A_272 : memref<!tpu.dma_semaphore, #tpu.memory_space<semaphore_mem>>) src(%dma_wait3A_278 : memref<128x128xf32, #tpu.memory_space<vmem>>) dst(%dma_wait3A_274 : memref<128x128xf32, #tpu.memory_space<hbm>>)
      %dma_wait3A_279 = arith.constant 3 : i32
      %dma_wait3A_280 = arith.constant 3 : i32
      %dma_wait3A_281 = arith.constant 0 : i32
      %dma_wait3A_282 = arith.constant 0 : i32
      %dma_wait3A_283 = tpu.memref_slice %arg6[%dma_wait3A_279, %dma_wait3A_281, %dma_wait3A_282] : memref<4x128x128xf32, #tpu.memory_space<vmem>> -> memref<1x128x128xf32, #tpu.memory_space<vmem>>
      %dma_wait3A_284 = tpu.memref_squeeze %dma_wait3A_283 : memref<1x128x128xf32, #tpu.memory_space<vmem>> -> memref<128x128xf32, #tpu.memory_space<vmem>>
      %dma_wait3A_285 = arith.constant 0 : i32
      %dma_wait3A_286 = tpu.memref_slice %arg4[%add3A_214, %dma_wait3A_285] : memref<819200x128xf32, #tpu.memory_space<hbm>> -> memref<128x128xf32, #tpu.memory_space<hbm>>
      %dma_wait3A_287 = tpu.memref_slice %arg8[%dma_wait3A_280] : memref<4x!tpu.dma_semaphore, #tpu.memory_space<semaphore_mem>> -> memref<1x!tpu.dma_semaphore, #tpu.memory_space<semaphore_mem>>
      %dma_wait3A_288 = tpu.memref_squeeze %dma_wait3A_287 : memref<1x!tpu.dma_semaphore, #tpu.memory_space<semaphore_mem>> -> memref<!tpu.dma_semaphore, #tpu.memory_space<semaphore_mem>>
      %dma_wait3A_289 = arith.constant 0 : i32
      %dma_wait3A_290 = tpu.memref_slice %arg4[%add3A_214, %dma_wait3A_289] : memref<819200x128xf32, #tpu.memory_space<hbm>> -> memref<128x128xf32, #tpu.memory_space<hbm>>
      %dma_wait3A_291 = arith.constant 0 : i32
      %dma_wait3A_292 = arith.constant 0 : i32
      %dma_wait3A_293 = tpu.memref_slice %arg6[%dma_wait3A_279, %dma_wait3A_291, %dma_wait3A_292] : memref<4x128x128xf32, #tpu.memory_space<vmem>> -> memref<1x128x128xf32, #tpu.memory_space<vmem>>
      %dma_wait3A_294 = tpu.memref_squeeze %dma_wait3A_293 : memref<1x128x128xf32, #tpu.memory_space<vmem>> -> memref<128x128xf32, #tpu.memory_space<vmem>>
      tpu.wait_dma2 semaphore(%dma_wait3A_288 : memref<!tpu.dma_semaphore, #tpu.memory_space<semaphore_mem>>) src(%dma_wait3A_294 : memref<128x128xf32, #tpu.memory_space<vmem>>) dst(%dma_wait3A_290 : memref<128x128xf32, #tpu.memory_space<hbm>>)
    }
    %scan3A_8 = arith.constant 50 : i32
    return
  }
}

</mosaic_0001>

<sc_bundles>
// kernel: kernel.3.cloned.1.call-start
scs
__scs_entry_jumppad:
0x0: {  	(pc) =	sbr.rel $0x88, $3  }
0x1: {  	(tag) =	ssettag $0x0;
	lr =	simm.s32 $0x1  }
0x2: {  	[smem:$0x3F9F] =	sst lr;
	_ =	strace $0xD0000000  }
0x3: {  	_ = 	snop  }
0x4: {  	_ = 	snop  }
0x5: {  	_ = 	snop  }
0x6: {  	_ = 	snop  }
0x7: {  	_ = 	snop  }
__scs_overlays_trampoline_lowered:
0x8: {  	[smem:$0x3FAE] =	sst s0  }
0x9: {  	[smem:$0x3FAF] =	sst s1  }
0xa: {  	[smem:$0x3FB0] =	sst s2  }
0xb: {  	[smem:$0x3FB1] =	sst s3  }
0xc: {  	[smem:$0x3FB2] =	sst s4  }
0xd: {  	[smem:$0x3FB3] =	sst s5  }
0xe: {  	[smem:$0x3FB4] =	sst s6  }
0xf: {  	[smem:$0x3FB5] =	sst s7  }
0x10: {  	[smem:$0x3FB6] =	sst s8  }
0x11: {  	[smem:$0x3FB7] =	sst s9;
	s0 =	simm.s32 @!p0 $0x0  }
0x12: {  	s1 =	sld [smem:$0x3F9D];
	s0 =	simm.s32 @p0 $0x1  }
0x13: {  	[smem:$0x3FB8] =	sst s0;
	s0 =	simm.s32 @!p1 $0x0  }
0x14: {  	s2 =	sld [smem:$0x3F9C];
	s0 =	simm.s32 @p1 $0x1  }
0x15: {  	[smem:$0x3FB9] =	sst s0;
	s0 =	simm.s32 @!p2 $0x0  }
0x16: {  	s3 =	sld [smem:$0x3FDB];
	s0 =	simm.s32 @p2 $0x1  }
0x17: {  	s4 =	simm.s32 $0x1BF5;
	[smem:$0x3FBB] =	sst s0  }
0x18: {  	s0 =	sld [smem:$0x3F9E];
	_ =	swait.ge [sflag:s4], $0x0  }
0x19: {  	s7 =	sld [smem:$0x3F9F]  }
0x1a: {  	s8 =	sadd.s32 $0xFFFFE003, lr  }
0x1b: {  	s9 =	sadd.s32 $0xFFFFFEF7, lr;
	s5 =	simm.s32 $0xFFFFFFFF;
	p2 =	slt.u32 s8, $0xFFFFF086  }
0x1c: {  	p1 =	slt.u32 s9, $0xF7A;
	s5 =	simm.s32 @!p2 $0x0  }
0x1d: {  	s5 =	simm.s32 @p1 $0x1;
	p0 =	seq.s32 s7, s2  }
0x1e: {  	s7 =	smul.u32 @!p0 $0xF7A, s2;
	p2 =	seq.s32 @!p0 s5, $0x0  }
0x1f: {  	s9 =	smul.u32 $0xF7A, s1;
	s8 =	simm.s32 @!p0 $0x1BF5;
	p2 =	por !p2, p0  }
0x20: {  	[sflag:s8] =	ssyncset.s32 @!p0 $0xFFFFF086;
	s6 =	sadd.s32 @!p0 s3, s7;
	s7 =	simm.s32 @!p0 $0x108  }
0x21: {  	s3 =	sadd.s32 s3, s9;
	s6 =	sadd.s32 @!p0 $0x88, s6;
	s7 =	simm.s32 @p2 $0x1082  }
0x22: {  	[simem:s7], [sflag:s8] =	dma.local @!p0 [hbm:s6], $0xF7A  }
0x23: {  	s9 =	sor.u32 $0xD0000000, s2;
	s6 =	simm.s32 $0x108;
	_ =	swait.ge @!p0 [sflag:s8], $0x0  }
0x24: {  	s3 =	sadd.s32 $0x88, s3;
	s6 =	simm.s32 @!p1 $0x1082;
	[sflag:s4] =	ssyncset.s32 $0xFFFFF086  }
0x25: {  	[simem:s6], [sflag:s4] =	dma.local [hbm:s3], $0xF7A  }
0x26: {  	[smem:$0x3F9F] =	sst s1;
	(tag) =	ssettag s2;
	_ =	strace s9  }
0x27: {  	s1 =	sld [smem:$0x3FAF]  }
0x28: {  	s2 =	sld [smem:$0x3FB0]  }
0x29: {  	s4 =	sld [smem:$0x3FB2]  }
0x2a: {  	p0 =	seq.s32 s5, $0x0;
	s5 =	sld [smem:$0x3FB3]  }
0x2b: {  	s6 =	sld [smem:$0x3FB4]  }
0x2c: {  	s7 =	sld [smem:$0x3FB5]  }
0x2d: {  	s3 =	simm.s32 $0x108;
	s8 =	sld [smem:$0x3FB6]  }
0x2e: {  	s3 =	simm.s32 @!p0 $0x1082;
	s9 =	sld [smem:$0x3FB7]  }
0x2f: {  	lr =	sadd.s32 s0, s3;
	s0 =	sld [smem:$0x3FAE]  }
0x30: {  	s3 =	sld [smem:$0x3FB1]  }
0x31: {  	[smem:$0x3FBA] =	sst s10  }
0x32: {  	s10 =	sld [smem:$0x3FB8];
	_ =	sdelay $0x3  }
0x33: {  	p0 =	seq.s32 s10, $0x1;
	s10 =	sld [smem:$0x3FBA];
	_ =	sdelay $0x3  }
0x34: {  	[smem:$0x3FBA] =	sst s10  }
0x35: {  	s10 =	sld [smem:$0x3FB9];
	_ =	sdelay $0x3  }
0x36: {  	p1 =	seq.s32 s10, $0x1;
	s10 =	sld [smem:$0x3FBA];
	_ =	sdelay $0x3  }
0x37: {  	[smem:$0x3FBA] =	sst s10  }
0x38: {  	s10 =	sld [smem:$0x3FBB]  }
0x39: {  	_ = 	snop;
	(pc) =	sbr.ind lr, $3  }
0x3a: {  	_ = 	snop  }
0x3b: {  	_ = 	snop  }
0x3c: {  	p2 =	seq.s32 s10, $0x1;
	s10 =	sld [smem:$0x3FBA]  }
0x3d: {  	_ =	shalt  }
0x3e: {  	_ =	shalt  }
0x3f: {  	_ =	shalt  }
0x40: {  	_ =	shalt  }
0x41: {  	_ =	shalt  }
0x42: {  	_ =	shalt  }
0x43: {  	_ =	shalt  }
0x44: {  	_ =	shalt  }
0x45: {  	_ =	shalt  }
0x46: {  	_ =	shalt  }
0x47: {  	_ =	shalt  }
0x48: {  	_ =	shalt  }
0x49: {  	_ =	shalt  }
0x4a: {  	_ =	shalt  }
0x4b: {  	_ =	shalt  }
0x4c: {  	_ =	shalt  }
0x4d: {  	_ =	shalt  }
0x4e: {  	_ =	shalt  }
0x4f: {  	_ =	shalt  }
0x50: {  	_ =	shalt  }
0x51: {  	_ =	shalt  }
0x52: {  	_ =	shalt  }
0x53: {  	_ =	shalt  }
0x54: {  	_ =	shalt  }
0x55: {  	_ =	shalt  }
0x56: {  	_ =	shalt  }
0x57: {  	_ =	shalt  }
0x58: {  	_ =	shalt  }
0x59: {  	_ =	shalt  }
0x5a: {  	_ =	shalt  }
0x5b: {  	_ =	shalt  }
0x5c: {  	_ =	shalt  }
0x5d: {  	_ =	shalt  }
0x5e: {  	_ =	shalt  }
0x5f: {  	_ =	shalt  }
0x60: {  	_ =	shalt  }
0x61: {  	_ =	shalt  }
0x62: {  	_ =	shalt  }
0x63: {  	_ =	shalt  }
0x64: {  	_ =	shalt  }
0x65: {  	_ =	shalt  }
0x66: {  	_ =	shalt  }
0x67: {  	_ =	shalt  }
0x68: {  	_ =	shalt  }
0x69: {  	_ =	shalt  }
0x6a: {  	_ =	shalt  }
0x6b: {  	_ =	shalt  }
0x6c: {  	_ =	shalt  }
0x6d: {  	_ =	shalt  }
0x6e: {  	_ =	shalt  }
0x6f: {  	_ =	shalt  }
0x70: {  	_ =	shalt  }
0x71: {  	_ =	shalt  }
0x72: {  	_ =	shalt  }
0x73: {  	_ =	shalt  }
0x74: {  	_ =	shalt  }
0x75: {  	_ =	shalt  }
0x76: {  	_ =	shalt  }
0x77: {  	_ =	shalt  }
0x78: {  	_ =	shalt  }
0x79: {  	_ =	shalt  }
0x7a: {  	_ =	shalt  }
0x7b: {  	_ =	shalt  }
0x7c: {  	_ =	shalt  }
0x7d: {  	_ =	shalt  }
0x7e: {  	_ =	shalt  }
0x7f: {  	_ =	shalt  }
0x80: {  	_ =	shalt  }
0x81: {  	_ =	shalt  }
0x82: {  	_ =	shalt  }
0x83: {  	_ =	shalt  }
0x84: {  	_ =	shalt  }
0x85: {  	_ =	shalt  }
0x86: {  	_ =	shalt  }
0x87: {  	_ =	shalt  }
.Lfunc_end0:
.L_simem_size_0:
called_computation.1_lowered:
.L_overlay_start_0:
0x88: {  	s2 =	sld [smem:$0x3FD9]  }
0x89: {  	s3 =	sld [smem:$0x3FFE];
	_ =	sdelay $0x1  }
0x8a: {  	s1 =	srdreg.scid  }
0x8b: {  	s0 =	sand.u32 $0x1, s1  }
0x8c: {  	s17 =	sshll.u32 s0, $0xA;
	s2 =	sadd.s32 s3, s2  }
0x8d: {  	s2 =	sadd.s32 s2, s17  }
0x8e: {  	[smem:$0x3FC6] =	sst s2  }
0x8f: {  	_ = 	snop  }
0x90: {  	s2 =	sld [smem:$0x3FD0];
	(tm) =	ssettm $0x1  }
0x91: {  	s18 =	sld [smem:$0x3FFB];
	_ =	sdelay $0x3  }
0x92: {  	_ =	strace s18  }
0x93: {  	s3 =	sld [smem:$0x3FFC];
	_ =	sdelay $0x3  }
0x94: {  	_ =	strace s3  }
0x95: {  	s3 =	sld [smem:$0x3FFD];
	_ =	sdelay $0x3  }
0x96: {  	_ =	strace s3  }
0x97: {  	_ =	strace $0x8FFFFFFF  }
0x98: {  	s19 =	sld [smem:$0x3FDB];
	_ =	sdelay $0x1  }
0x99: {  	s4 =	simm.s32 $_scs_section_size  }
0x9a: {  	s5 =	simm.s32 $_size__tile_overlayer_lowered;
	s6 =	simm.s32 $_tile_overlayer_lowered  }
0x9b: {  	s22 =	simm.s32 $0x1BFF;
	s21 =	sshll.u32 s6, $0x1;
	s3 =	sadd.s32 s4, s19  }
0x9c: {  	s7 =	simm.s32 $0x0;
	s20 =	sshll.u32 s5, $0x1;
	s5 =	sadd.s32 s21, s3  }
0x9d: {  	[timem:s7], [sflag:s22] =	dma.local [hbm:s5], s20  }
0x9e: {  	_ =	swait.ge [sflag:s22], s20  }
0x9f: {  	s4 =	ssub.s32 $0x0, s20;
	[sflag:s22] =	ssyncset.done $0x0  }
0xa0: {  	[sflag:s22] =	ssyncadd.s32 s4;
	_ =	sdelay $0x1  }
0xa1: {  	s23 =	simm.s32 $0x1B8B  }
0xa2: {  	_ =	swait.ge [sflag:s23], $0x1  }
0xa3: {  	[sflag:s23] =	ssyncset.done $0x0  }
0xa4: {  	s25 =	simm.s32 $0x1B8E;
	s24 =	sld [smem:$0x3FFE];
	[sflag:s23] =	ssyncadd.s32 $0xFFFFFFFF  }
0xa5: {  	s26 =	simm.s32 $execute0_lowered;
	[smem:$0x3FD2] =	sst s25  }
0xa6: {  	s5 =	sshll.u32 s26, $0x1;
	_ =	strace $0x80000046;
	[dreg:$0x1] =	wrdreg $0xFFFFFFFF  }
0xa7: {  	s28 =	simm.s32 $_size_execute0_lowered;
	s3 =	sadd.s32 s3, s5;
	[dreg:$0x0] =	wrdreg $0x0  }
0xa8: {  	s5 =	sshll.u32 s28, $0x1;
	[dreg:$0x2] =	wrdreg s3  }
0xa9: {  	[dreg:$0x3] =	wrdreg s5  }
0xaa: {  	[dreg:$0x4] =	wrdreg $0xC0  }
0xab: {  	_ =	task [dreg:s7], $0x5FFFF  }
0xac: {  	[dreg:$0x1] =	wrdreg $0xFFFFFFFF  }
0xad: {  	[dreg:$0x0] =	wrdreg $0x60  }
0xae: {  	[dreg:$0x2] =	wrdreg s24  }
0xaf: {  	[dreg:$0x3] =	wrdreg s2  }
0xb0: {  	[dreg:$0x4] =	wrdreg $0x9  }
0xb1: {  	_ =	task.clear_ibuf [dreg:s7], $0x5FFFF;
	_ =	strace $0x90000046  }
0xb2: {  	s29 =	simm.s32 $0x9;
	_ =	strace $0x80000048  }
0xb3: {  	_ =	swait.ge [sflag:s29], $0x1  }
0xb4: {  	[sflag:s29] =	ssyncadd.s32 $0xFFFFFFFF  }
0xb5: {  	_ =	strace $0x90000048  }
0xb6: {  	_ =	sfence  }
0xb7: {  	s30 =	sld [smem:$0x0];
	_ =	sdelay $0x2  }
0xb8: {  	s31 =	sshll.u32 s1, $0xD;
	s1 =	sshrl.u32 s1, $0x2  }
0xb9: {  	s3 =	sand.u32 $0x4000, s31;
	s1 =	sadd.s32 s1, s30  }
0xba: {  	s0 =	sor.u32 s3, s0;
	s1 =	sshll.u32 s1, $0x11  }
0xbb: {  	s0 =	sor.u32 s1, s0  }
0xbc: {  	s0 =	sadd.s32 $0x8F2B, s0  }
0xbd: {  	[sflag:s0] =	ssyncadd.remote.s32 $0x1  }
0xbe: {  	_ =	sfence.sel $0xFFFF  }
0xbf: {  	[dreg:$0x0] =	wrdreg $0xFFFFFFFF;
	(pc) =	sbr.abs _section_cstart, $3  }
0xc0: {  	[dreg:$0x1] =	wrdreg $0xFFFFFFFF  }
0xc1: {  	_ =	task.clear_ibuf [dreg:s7], $0x2FFFF;
	_ =	strace $0x9FFFFFFF  }
0xc2: {  	(tm) =	ssettm $0x7FFFFFFF  }
0xc3: {  	_ =	shalt  }
tec
execute0_lowered:
.L_overlay_start_1:
0x0: {  	(tag) =	ssettag $0x1  }
0x1: {  	s4 =	rddreg [dreg:$0x0]  }
0x2: {  	s6 =	rddreg [dreg:$0x1]  }
0x3: {  	s0 =	rddreg [dreg:$0x2]  }
0x4: {  	s2 =	simm.s32 $0x0;
	s3 =	srdreg.scid;
	s1 =	stileid.u32  }
0x5: {  	s11 =	simm.s32 $0x6400;
	s12 =	simm.s32 $0xA400;
	s13 =	simm.s32 $0xE400  }
0x6: {  	s14 =	simm.s32 $0x12400;
	s15 =	simm.s32 $0x1;
	s16 =	simm.s32 $0x2  }
0x7: {  	s17 =	simm.s32 $0x3;
	s18 =	simm.s32 $0x4;
	s19 =	simm.s32 $0x5  }
0x8: {  	s20 =	simm.s32 $0x6;
	s21 =	simm.s32 $0x7;
	s22 =	simm.s32 $0x8  }
0x9: {  	[smem:$0x7FF] =	sst s2;
	s3 =	sand.u32 $0x1, s3;
	s5 =	sshll.u32 s1, $0x1  }
0xa: {  	s23 =	simm.s32 $0x0;
	_ =	strace $0x80000047;
	s8 =	sor.u32 s3, s5  }
0xb: {  	s7 =	ssub.s32 $0x2, s3;
	s3 =	sadd.s32 $0x800, s4;
	s9 =	smul.u32 $0xC80, s8  }
0xc: {  	s4 =	sadd.s32 $0xF42C00, s4;
	s31 =	sshrl.u32 s7, $0x1;
	s5 =	smul.u32 $0x6400, s8  }
0xd: {  	s10 =	ssub.s32 s7, s31;
	s7 =	smul.u32 $0x320000, s8;
	s6 =	sadd.s32 s6, s9  }
0xe: {  	s8 =	smax.u32 s10, $0x1;
	s9 =	simm.s32 $0x9;
	s10 =	simm.s32 $0x80  }
.LBB2_1:
0xf: {  	[tilespmem:s2], [sflag:$0x9] =	stream.linear.gather [hbm4b:s6+s2], $0x6400, $0x38;
	[tilespmem:$0x16400] =	vst v63  }
0x10: {  	_ =	swait.ge [sflag:s9], $0x6400  }
0x11: {  	[sflag:s9] =	ssyncset.done $0x0  }
0x12: {  	s24 =	simm.s32 $0x0;
	[sflag:s9] =	ssyncadd.s32 $0xFFFF9C00  }
.LBB2_2:
0x13: {  	s25 =	sshll.u32 s24, $0x9  }
0x14: {  	s26 =	sand.u32 $0x3FFFFE00, s25  }
0x15: {  	[tilespmem:s11], [sflag:$0x1] =	stream.indirect.gather [hbm4b:s3+s10], $0x80, s26, s10, $0xb8;
	[tilespmem:$0x16400] =	vst v63  }
0x16: {  	s28 =	sor.u32 $0x80, s25  }
0x17: {  	[tilespmem:s12], [sflag:$0x2] =	stream.indirect.gather [hbm4b:s3+s10], $0x80, s28, s10, $0xb8;
	[tilespmem:$0x16400] =	vst v63  }
0x18: {  	s26 =	sor.u32 $0x100, s25  }
0x19: {  	[tilespmem:s13], [sflag:$0x3] =	stream.indirect.gather [hbm4b:s3+s10], $0x80, s26, s10, $0xb8;
	[tilespmem:$0x16400] =	vst v63  }
0x1a: {  	s25 =	sor.u32 $0x180, s25  }
0x1b: {  	[tilespmem:s14], [sflag:$0x4] =	stream.indirect.gather [hbm4b:s3+s10], $0x80, s25, s10, $0xb8;
	[tilespmem:$0x16400] =	vst v63  }
0x1c: {  	_ =	swait.ge [sflag:s15], $0x4000  }
0x1d: {  	[sflag:s15] =	ssyncset.done $0x0  }
0x1e: {  	s29 =	simm.s32 $0x6500;
	[sflag:s15] =	ssyncadd.s32 $0xFFFFC000  }
0x1f: {  	v0 =	vld [tilespmem:s29+$0xB0]  }
0x20: {  	v1 =	vld [tilespmem:s29+$0xFFFFFF10]  }
0x21: {  	v2 =	vld [tilespmem:s29+$0xFFFFFF20]  }
0x22: {  	v3 =	vld [tilespmem:s29+$0xFFFFFF30]  }
0x23: {  	v4 =	vld [tilespmem:s29+$0xFFFFFF80]  }
0x24: {  	v5 =	vld [tilespmem:s29+$0xFFFFFF90];
	v0 =	vmul.f32 $8.000000000e+00, v0  }
0x25: {  	v6 =	vld [tilespmem:s29+$0xFFFFFFA0];
	v1 =	vmul.f32 $8.000000000e+00, v1  }
0x26: {  	v7 =	vld [tilespmem:s29+$0xFFFFFFB0];
	v2 =	vmul.f32 $8.000000000e+00, v2;
	[tilespmem:s29+$0xB0] =	vst v0  }
0x27: {  	[tilespmem:s29+$0xFFFFFF10] =	vst v1;
	v0 =	vmul.f32 $8.000000000e+00, v3;
	v3 =	vld [tilespmem:s29+$0x0]  }
0x28: {  	[tilespmem:s29+$0xFFFFFF20] =	vst v2;
	v1 =	vmul.f32 $8.000000000e+00, v4;
	v4 =	vld [tilespmem:s29+$0x10]  }
0x29: {  	v8 =	vld [tilespmem:s29+$0x20];
	v2 =	vmul.f32 $8.000000000e+00, v5;
	[tilespmem:s29+$0xFFFFFF30] =	vst v0  }
0x2a: {  	v5 =	vmul.f32 $8.000000000e+00, v6;
	[tilespmem:s29+$0xFFFFFF80] =	vst v1;
	v0 =	vld [tilespmem:s29+$0x30]  }
0x2b: {  	v6 =	vmul.f32 $8.000000000e+00, v7;
	[tilespmem:s29+$0xFFFFFF90] =	vst v2;
	v1 =	vld [tilespmem:s29+$0x80]  }
0x2c: {  	[tilespmem:s29+$0xFFFFFFA0] =	vst v5;
	v2 =	vld [tilespmem:s29+$0x90];
	v7 =	vmul.f32 $8.000000000e+00, v3  }
0x2d: {  	[tilespmem:s29+$0xFFFFFFB0] =	vst v6;
	v3 =	vld [tilespmem:s29+$0xA0];
	v5 =	vmul.f32 $8.000000000e+00, v4  }
0x2e: {  	s30 =	simm.s32 $0x0;
	s31 =	simm.s32 $0x6700;
	v6 =	vmul.f32 $8.000000000e+00, v8;
	v4 =	vld [tilespmem:s29+$0xFFFFFF00];
	[tilespmem:s29+$0x0] =	vst v7  }
.LBB2_3:
0x2f: {  	v7 =	vld [tilespmem:s31+$0xB0];
	s30 =	sadd.s32 $0x4, s30;
	[tilespmem:s29+$0x10] =	vst v5;
	v0 =	vmul.f32 $8.000000000e+00, v0  }
0x30: {  	v5 =	vld [tilespmem:s31+$0xFFFFFF10];
	p0 =	slt.u32 s30, $0x7C;
	[tilespmem:s29+$0x20] =	vst v6;
	v1 =	vmul.f32 $8.000000000e+00, v1  }
0x31: {  	v6 =	vld [tilespmem:s31+$0xFFFFFF20];
	[tilespmem:s29+$0x30] =	vst v0;
	v0 =	vmul.f32 $8.000000000e+00, v2  }
0x32: {  	v2 =	vld [tilespmem:s31+$0xFFFFFF30];
	[tilespmem:s29+$0x80] =	vst v1;
	v1 =	vmul.f32 $8.000000000e+00, v3  }
0x33: {  	v3 =	vld [tilespmem:s31+$0xFFFFFF80];
	v4 =	vmul.f32 $8.000000000e+00, v4;
	[tilespmem:s29+$0x90] =	vst v0  }
0x34: {  	v0 =	vld [tilespmem:s31+$0xFFFFFF90];
	v7 =	vmul.f32 $8.000000000e+00, v7;
	[tilespmem:s29+$0xA0] =	vst v1  }
0x35: {  	v1 =	vmul.f32 $8.000000000e+00, v5;
	v5 =	vld [tilespmem:s31+$0xFFFFFFA0];
	[tilespmem:s29+$0xFFFFFF00] =	vst v4;
	s29 =	smov.u32 s31  }
0x36: {  	v4 =	vmul.f32 $8.000000000e+00, v6;
	v6 =	vld [tilespmem:s31+$0xFFFFFFB0];
	[tilespmem:s31+$0xB0] =	vst v7  }
0x37: {  	[tilespmem:s31+$0xFFFFFF10] =	vst v1;
	v1 =	vmul.f32 $8.000000000e+00, v2;
	v2 =	vld [tilespmem:s31+$0x0]  }
0x38: {  	[tilespmem:s31+$0xFFFFFF20] =	vst v4;
	v3 =	vmul.f32 $8.000000000e+00, v3;
	v4 =	vld [tilespmem:s31+$0x10]  }
0x39: {  	[tilespmem:s31+$0xFFFFFF30] =	vst v1;
	v1 =	vmul.f32 $8.000000000e+00, v0;
	v7 =	vld [tilespmem:s31+$0x20]  }
.Ltmp0:
0x3a: {  	[tilespmem:s31+$0xFFFFFF80] =	vst v3;
	v3 =	vmul.f32 $8.000000000e+00, v5;
	v0 =	vld [tilespmem:s31+$0x30];
	(pc) =	sbr.rel @p0 .LBB2_3-.Ltmp0, $4  }
0x3b: {  	[tilespmem:s31+$0xFFFFFF90] =	vst v1;
	v5 =	vmul.f32 $8.000000000e+00, v6;
	v1 =	vld [tilespmem:s31+$0x80]  }
0x3c: {  	[tilespmem:s31+$0xFFFFFFA0] =	vst v3;
	v6 =	vmul.f32 $8.000000000e+00, v2;
	v2 =	vld [tilespmem:s31+$0x90]  }
0x3d: {  	[tilespmem:s31+$0xFFFFFFB0] =	vst v5;
	v5 =	vmul.f32 $8.000000000e+00, v4;
	v3 =	vld [tilespmem:s31+$0xA0]  }
0x3e: {  	s31 =	sadd.s32 $0x200, s31;
	v4 =	vld [tilespmem:s29+$0xFFFFFF00];
	[tilespmem:s29+$0x0] =	vst v6;
	v6 =	vmul.f32 $8.000000000e+00, v7  }
0x3f: {  	[tilespmem:s29+$0x10] =	vst v5;
	v0 =	vmul.f32 $8.000000000e+00, v0  }
0x40: {  	[tilespmem:s29+$0x20] =	vst v6;
	v1 =	vmul.f32 $8.000000000e+00, v1  }
0x41: {  	[tilespmem:s29+$0x30] =	vst v0;
	v0 =	vmul.f32 $8.000000000e+00, v2  }
0x42: {  	s30 =	sshll.u32 s24, $0x10;
	[tilespmem:s29+$0x80] =	vst v1;
	v1 =	vmul.f32 $8.000000000e+00, v3  }
0x43: {  	s30 =	sadd.s32 s7, s30;
	v2 =	vmul.f32 $8.000000000e+00, v4;
	[tilespmem:s29+$0x90] =	vst v0  }
0x44: {  	s30 =	sshrl.u32 s30, $0x3;
	[tilespmem:s29+$0xA0] =	vst v1  }
0x45: {  	[tilespmem:s29+$0xFFFFFF00] =	vst v2;
	s29 =	sadd.s32 s4, s30  }
0x46: {  	[hbm4b:s29+s2] =	stream.linear.scatter [tilespmem:s11], [sflag:$0x5], $0x4000, $0x38;
	[tilespmem:$0x16400] =	vst v63  }
0x47: {  	_ =	swait.ge [sflag:s16], $0x4000  }
0x48: {  	[sflag:s16] =	ssyncset.done $0x0  }
0x49: {  	s29 =	simm.s32 $0xA400;
	[sflag:s16] =	ssyncadd.s32 $0xFFFFC000  }
0x4a: {  	v0 =	vld [tilespmem:s29+$0x1B0]  }
0x4b: {  	v1 =	vld [tilespmem:s29+$0x10]  }
0x4c: {  	v2 =	vld [tilespmem:s29+$0x20]  }
0x4d: {  	v3 =	vld [tilespmem:s29+$0x30]  }
0x4e: {  	v4 =	vld [tilespmem:s29+$0x80]  }
0x4f: {  	v5 =	vld [tilespmem:s29+$0x90];
	v0 =	vmul.f32 $8.000000000e+00, v0  }
0x50: {  	v6 =	vld [tilespmem:s29+$0xA0];
	v1 =	vmul.f32 $8.000000000e+00, v1  }
0x51: {  	v7 =	vld [tilespmem:s29+$0xB0];
	v2 =	vmul.f32 $8.000000000e+00, v2;
	[tilespmem:s29+$0x1B0] =	vst v0  }
0x52: {  	[tilespmem:s29+$0x10] =	vst v1;
	v0 =	vmul.f32 $8.000000000e+00, v3;
	v3 =	vld [tilespmem:s29+$0x100]  }
0x53: {  	[tilespmem:s29+$0x20] =	vst v2;
	v1 =	vmul.f32 $8.000000000e+00, v4;
	v4 =	vld [tilespmem:s29+$0x110]  }
0x54: {  	v8 =	vld [tilespmem:s29+$0x120];
	v2 =	vmul.f32 $8.000000000e+00, v5;
	[tilespmem:s29+$0x30] =	vst v0  }
0x55: {  	v5 =	vmul.f32 $8.000000000e+00, v6;
	[tilespmem:s29+$0x80] =	vst v1;
	v0 =	vld [tilespmem:s29+$0x130]  }
0x56: {  	v6 =	vmul.f32 $8.000000000e+00, v7;
	[tilespmem:s29+$0x90] =	vst v2;
	v1 =	vld [tilespmem:s29+$0x180]  }
0x57: {  	[tilespmem:s29+$0xA0] =	vst v5;
	v2 =	vld [tilespmem:s29+$0x190];
	v7 =	vmul.f32 $8.000000000e+00, v3  }
0x58: {  	[tilespmem:s29+$0xB0] =	vst v6;
	v3 =	vld [tilespmem:s29+$0x1A0];
	v5 =	vmul.f32 $8.000000000e+00, v4  }
0x59: {  	s31 =	simm.s32 $0xA600;
	s30 =	simm.s32 $0x0;
	v6 =	vmul.f32 $8.000000000e+00, v8;
	v4 =	vld [tilespmem:s29+$0x0];
	[tilespmem:s29+$0x100] =	vst v7  }
.LBB2_5:
0x5a: {  	v7 =	vld [tilespmem:s31+$0x1B0];
	s30 =	sadd.s32 $0x4, s30;
	[tilespmem:s29+$0x110] =	vst v5;
	v0 =	vmul.f32 $8.000000000e+00, v0  }
0x5b: {  	v5 =	vld [tilespmem:s31+$0x10];
	p0 =	slt.u32 s30, $0x7C;
	[tilespmem:s29+$0x120] =	vst v6;
	v1 =	vmul.f32 $8.000000000e+00, v1  }
0x5c: {  	v6 =	vld [tilespmem:s31+$0x20];
	[tilespmem:s29+$0x130] =	vst v0;
	v0 =	vmul.f32 $8.000000000e+00, v2  }
0x5d: {  	v2 =	vld [tilespmem:s31+$0x30];
	[tilespmem:s29+$0x180] =	vst v1;
	v1 =	vmul.f32 $8.000000000e+00, v3  }
0x5e: {  	v3 =	vld [tilespmem:s31+$0x80];
	v4 =	vmul.f32 $8.000000000e+00, v4;
	[tilespmem:s29+$0x190] =	vst v0  }
0x5f: {  	v0 =	vld [tilespmem:s31+$0x90];
	v7 =	vmul.f32 $8.000000000e+00, v7;
	[tilespmem:s29+$0x1A0] =	vst v1  }
0x60: {  	v1 =	vmul.f32 $8.000000000e+00, v5;
	v5 =	vld [tilespmem:s31+$0xA0];
	[tilespmem:s29+$0x0] =	vst v4;
	s29 =	smov.u32 s31  }
0x61: {  	v4 =	vmul.f32 $8.000000000e+00, v6;
	v6 =	vld [tilespmem:s31+$0xB0];
	[tilespmem:s31+$0x1B0] =	vst v7  }
0x62: {  	[tilespmem:s31+$0x10] =	vst v1;
	v1 =	vmul.f32 $8.000000000e+00, v2;
	v2 =	vld [tilespmem:s31+$0x100]  }
0x63: {  	[tilespmem:s31+$0x20] =	vst v4;
	v3 =	vmul.f32 $8.000000000e+00, v3;
	v4 =	vld [tilespmem:s31+$0x110]  }
0x64: {  	[tilespmem:s31+$0x30] =	vst v1;
	v1 =	vmul.f32 $8.000000000e+00, v0;
	v7 =	vld [tilespmem:s31+$0x120]  }
.Ltmp1:
0x65: {  	[tilespmem:s31+$0x80] =	vst v3;
	v3 =	vmul.f32 $8.000000000e+00, v5;
	v0 =	vld [tilespmem:s31+$0x130];
	(pc) =	sbr.rel @p0 .LBB2_5-.Ltmp1, $4  }
0x66: {  	[tilespmem:s31+$0x90] =	vst v1;
	v5 =	vmul.f32 $8.000000000e+00, v6;
	v1 =	vld [tilespmem:s31+$0x180]  }
0x67: {  	[tilespmem:s31+$0xA0] =	vst v3;
	v6 =	vmul.f32 $8.000000000e+00, v2;
	v2 =	vld [tilespmem:s31+$0x190]  }
0x68: {  	[tilespmem:s31+$0xB0] =	vst v5;
	v5 =	vmul.f32 $8.000000000e+00, v4;
	v3 =	vld [tilespmem:s31+$0x1A0]  }
0x69: {  	s31 =	sadd.s32 $0x200, s31;
	v4 =	vld [tilespmem:s29+$0x0];
	[tilespmem:s29+$0x100] =	vst v6;
	v6 =	vmul.f32 $8.000000000e+00, v7  }
0x6a: {  	[tilespmem:s29+$0x110] =	vst v5;
	v0 =	vmul.f32 $8.000000000e+00, v0  }
0x6b: {  	[tilespmem:s29+$0x120] =	vst v6;
	v1 =	vmul.f32 $8.000000000e+00, v1  }
0x6c: {  	[tilespmem:s29+$0x130] =	vst v0;
	v0 =	vmul.f32 $8.000000000e+00, v2  }
0x6d: {  	[tilespmem:s29+$0x180] =	vst v1;
	v1 =	vmul.f32 $8.000000000e+00, v3  }
0x6e: {  	s28 =	sadd.s32 s5, s28;
	v2 =	vmul.f32 $8.000000000e+00, v4;
	[tilespmem:s29+$0x190] =	vst v0  }
0x6f: {  	s28 =	sshll.u32 s28, $0x4;
	[tilespmem:s29+$0x1A0] =	vst v1  }
0x70: {  	s28 =	sadd.s32 s4, s28;
	[tilespmem:s29+$0x0] =	vst v2  }
0x71: {  	[hbm4b:s28+s2] =	stream.linear.scatter [tilespmem:s12], [sflag:$0x6], $0x4000, $0x38;
	[tilespmem:$0x16400] =	vst v63  }
0x72: {  	_ =	swait.ge [sflag:s17], $0x4000  }
0x73: {  	[sflag:s17] =	ssyncset.done $0x0  }
0x74: {  	s28 =	simm.s32 $0xE400;
	[sflag:s17] =	ssyncadd.s32 $0xFFFFC000  }
0x75: {  	v0 =	vld [tilespmem:s28+$0x1B0]  }
0x76: {  	v1 =	vld [tilespmem:s28+$0x10]  }
0x77: {  	v2 =	vld [tilespmem:s28+$0x20]  }
0x78: {  	v3 =	vld [tilespmem:s28+$0x30]  }
0x79: {  	v4 =	vld [tilespmem:s28+$0x80]  }
0x7a: {  	v5 =	vld [tilespmem:s28+$0x90];
	v0 =	vmul.f32 $8.000000000e+00, v0  }
0x7b: {  	v6 =	vld [tilespmem:s28+$0xA0];
	v1 =	vmul.f32 $8.000000000e+00, v1  }
0x7c: {  	v7 =	vld [tilespmem:s28+$0xB0];
	v2 =	vmul.f32 $8.000000000e+00, v2;
	[tilespmem:s28+$0x1B0] =	vst v0  }
0x7d: {  	[tilespmem:s28+$0x10] =	vst v1;
	v0 =	vmul.f32 $8.000000000e+00, v3;
	v3 =	vld [tilespmem:s28+$0x100]  }
0x7e: {  	[tilespmem:s28+$0x20] =	vst v2;
	v1 =	vmul.f32 $8.000000000e+00, v4;
	v4 =	vld [tilespmem:s28+$0x110]  }
0x7f: {  	v8 =	vld [tilespmem:s28+$0x120];
	v2 =	vmul.f32 $8.000000000e+00, v5;
	[tilespmem:s28+$0x30] =	vst v0  }
0x80: {  	v5 =	vmul.f32 $8.000000000e+00, v6;
	[tilespmem:s28+$0x80] =	vst v1;
	v0 =	vld [tilespmem:s28+$0x130]  }
0x81: {  	v6 =	vmul.f32 $8.000000000e+00, v7;
	[tilespmem:s28+$0x90] =	vst v2;
	v1 =	vld [tilespmem:s28+$0x180]  }
0x82: {  	[tilespmem:s28+$0xA0] =	vst v5;
	v2 =	vld [tilespmem:s28+$0x190];
	v7 =	vmul.f32 $8.000000000e+00, v3  }
0x83: {  	[tilespmem:s28+$0xB0] =	vst v6;
	v3 =	vld [tilespmem:s28+$0x1A0];
	v5 =	vmul.f32 $8.000000000e+00, v4  }
0x84: {  	s30 =	simm.s32 $0xE600;
	s29 =	simm.s32 $0x0;
	v6 =	vmul.f32 $8.000000000e+00, v8;
	v4 =	vld [tilespmem:s28+$0x0];
	[tilespmem:s28+$0x100] =	vst v7  }
.LBB2_7:
0x85: {  	v7 =	vld [tilespmem:s30+$0x1B0];
	s29 =	sadd.s32 $0x4, s29;
	[tilespmem:s28+$0x110] =	vst v5;
	v0 =	vmul.f32 $8.000000000e+00, v0  }
0x86: {  	v5 =	vld [tilespmem:s30+$0x10];
	p0 =	slt.u32 s29, $0x7C;
	[tilespmem:s28+$0x120] =	vst v6;
	v1 =	vmul.f32 $8.000000000e+00, v1  }
0x87: {  	v6 =	vld [tilespmem:s30+$0x20];
	[tilespmem:s28+$0x130] =	vst v0;
	v0 =	vmul.f32 $8.000000000e+00, v2  }
0x88: {  	v2 =	vld [tilespmem:s30+$0x30];
	[tilespmem:s28+$0x180] =	vst v1;
	v1 =	vmul.f32 $8.000000000e+00, v3  }
0x89: {  	v3 =	vld [tilespmem:s30+$0x80];
	v4 =	vmul.f32 $8.000000000e+00, v4;
	[tilespmem:s28+$0x190] =	vst v0  }
0x8a: {  	v0 =	vld [tilespmem:s30+$0x90];
	v7 =	vmul.f32 $8.000000000e+00, v7;
	[tilespmem:s28+$0x1A0] =	vst v1  }
0x8b: {  	v1 =	vmul.f32 $8.000000000e+00, v5;
	v5 =	vld [tilespmem:s30+$0xA0];
	[tilespmem:s28+$0x0] =	vst v4;
	s28 =	smov.u32 s30  }
0x8c: {  	v4 =	vmul.f32 $8.000000000e+00, v6;
	v6 =	vld [tilespmem:s30+$0xB0];
	[tilespmem:s30+$0x1B0] =	vst v7  }
0x8d: {  	[tilespmem:s30+$0x10] =	vst v1;
	v1 =	vmul.f32 $8.000000000e+00, v2;
	v2 =	vld [tilespmem:s30+$0x100]  }
0x8e: {  	[tilespmem:s30+$0x20] =	vst v4;
	v3 =	vmul.f32 $8.000000000e+00, v3;
	v4 =	vld [tilespmem:s30+$0x110]  }
0x8f: {  	[tilespmem:s30+$0x30] =	vst v1;
	v1 =	vmul.f32 $8.000000000e+00, v0;
	v7 =	vld [tilespmem:s30+$0x120]  }
.Ltmp2:
0x90: {  	[tilespmem:s30+$0x80] =	vst v3;
	v3 =	vmul.f32 $8.000000000e+00, v5;
	v0 =	vld [tilespmem:s30+$0x130];
	(pc) =	sbr.rel @p0 .LBB2_7-.Ltmp2, $4  }
0x91: {  	[tilespmem:s30+$0x90] =	vst v1;
	v5 =	vmul.f32 $8.000000000e+00, v6;
	v1 =	vld [tilespmem:s30+$0x180]  }
0x92: {  	[tilespmem:s30+$0xA0] =	vst v3;
	v6 =	vmul.f32 $8.000000000e+00, v2;
	v2 =	vld [tilespmem:s30+$0x190]  }
0x93: {  	[tilespmem:s30+$0xB0] =	vst v5;
	v5 =	vmul.f32 $8.000000000e+00, v4;
	v3 =	vld [tilespmem:s30+$0x1A0]  }
0x94: {  	s30 =	sadd.s32 $0x200, s30;
	v4 =	vld [tilespmem:s28+$0x0];
	[tilespmem:s28+$0x100] =	vst v6;
	v6 =	vmul.f32 $8.000000000e+00, v7  }
0x95: {  	[tilespmem:s28+$0x110] =	vst v5;
	v0 =	vmul.f32 $8.000000000e+00, v0  }
0x96: {  	[tilespmem:s28+$0x120] =	vst v6;
	v1 =	vmul.f32 $8.000000000e+00, v1  }
0x97: {  	[tilespmem:s28+$0x130] =	vst v0;
	v0 =	vmul.f32 $8.000000000e+00, v2  }
0x98: {  	[tilespmem:s28+$0x180] =	vst v1;
	v1 =	vmul.f32 $8.000000000e+00, v3  }
0x99: {  	s26 =	sadd.s32 s5, s26;
	v2 =	vmul.f32 $8.000000000e+00, v4;
	[tilespmem:s28+$0x190] =	vst v0  }
0x9a: {  	s26 =	sshll.u32 s26, $0x4;
	[tilespmem:s28+$0x1A0] =	vst v1  }
0x9b: {  	s26 =	sadd.s32 s4, s26;
	[tilespmem:s28+$0x0] =	vst v2  }
0x9c: {  	[hbm4b:s26+s2] =	stream.linear.scatter [tilespmem:s13], [sflag:$0x7], $0x4000, $0x38;
	[tilespmem:$0x16400] =	vst v63  }
0x9d: {  	_ =	swait.ge [sflag:s18], $0x4000  }
0x9e: {  	[sflag:s18] =	ssyncset.done $0x0  }
0x9f: {  	s26 =	simm.s32 $0x12400;
	[sflag:s18] =	ssyncadd.s32 $0xFFFFC000  }
0xa0: {  	v0 =	vld [tilespmem:s26+$0x1B0]  }
0xa1: {  	v1 =	vld [tilespmem:s26+$0x10]  }
0xa2: {  	v2 =	vld [tilespmem:s26+$0x20]  }
0xa3: {  	v3 =	vld [tilespmem:s26+$0x30]  }
0xa4: {  	v4 =	vld [tilespmem:s26+$0x80]  }
0xa5: {  	v5 =	vld [tilespmem:s26+$0x90];
	v0 =	vmul.f32 $8.000000000e+00, v0  }
0xa6: {  	v6 =	vld [tilespmem:s26+$0xA0];
	v1 =	vmul.f32 $8.000000000e+00, v1  }
0xa7: {  	v7 =	vld [tilespmem:s26+$0xB0];
	v2 =	vmul.f32 $8.000000000e+00, v2;
	[tilespmem:s26+$0x1B0] =	vst v0  }
0xa8: {  	[tilespmem:s26+$0x10] =	vst v1;
	v0 =	vmul.f32 $8.000000000e+00, v3;
	v3 =	vld [tilespmem:s26+$0x100]  }
0xa9: {  	[tilespmem:s26+$0x20] =	vst v2;
	v1 =	vmul.f32 $8.000000000e+00, v4;
	v4 =	vld [tilespmem:s26+$0x110]  }
0xaa: {  	v8 =	vld [tilespmem:s26+$0x120];
	v2 =	vmul.f32 $8.000000000e+00, v5;
	[tilespmem:s26+$0x30] =	vst v0  }
0xab: {  	v5 =	vmul.f32 $8.000000000e+00, v6;
	[tilespmem:s26+$0x80] =	vst v1;
	v0 =	vld [tilespmem:s26+$0x130]  }
0xac: {  	v6 =	vmul.f32 $8.000000000e+00, v7;
	[tilespmem:s26+$0x90] =	vst v2;
	v1 =	vld [tilespmem:s26+$0x180]  }
0xad: {  	[tilespmem:s26+$0xA0] =	vst v5;
	v2 =	vld [tilespmem:s26+$0x190];
	v7 =	vmul.f32 $8.000000000e+00, v3  }
0xae: {  	[tilespmem:s26+$0xB0] =	vst v6;
	v3 =	vld [tilespmem:s26+$0x1A0];
	v5 =	vmul.f32 $8.000000000e+00, v4  }
0xaf: {  	s29 =	simm.s32 $0x12600;
	s28 =	simm.s32 $0x0;
	v6 =	vmul.f32 $8.000000000e+00, v8;
	v4 =	vld [tilespmem:s26+$0x0];
	[tilespmem:s26+$0x100] =	vst v7  }
.LBB2_9:
0xb0: {  	v7 =	vld [tilespmem:s29+$0x1B0];
	s28 =	sadd.s32 $0x4, s28;
	[tilespmem:s26+$0x110] =	vst v5;
	v0 =	vmul.f32 $8.000000000e+00, v0  }
0xb1: {  	v5 =	vld [tilespmem:s29+$0x10];
	p0 =	slt.u32 s28, $0x7C;
	[tilespmem:s26+$0x120] =	vst v6;
	v1 =	vmul.f32 $8.000000000e+00, v1  }
0xb2: {  	v6 =	vld [tilespmem:s29+$0x20];
	[tilespmem:s26+$0x130] =	vst v0;
	v0 =	vmul.f32 $8.000000000e+00, v2  }
0xb3: {  	v2 =	vld [tilespmem:s29+$0x30];
	[tilespmem:s26+$0x180] =	vst v1;
	v1 =	vmul.f32 $8.000000000e+00, v3  }
0xb4: {  	v3 =	vld [tilespmem:s29+$0x80];
	v4 =	vmul.f32 $8.000000000e+00, v4;
	[tilespmem:s26+$0x190] =	vst v0  }
0xb5: {  	v0 =	vld [tilespmem:s29+$0x90];
	v7 =	vmul.f32 $8.000000000e+00, v7;
	[tilespmem:s26+$0x1A0] =	vst v1  }
0xb6: {  	v1 =	vmul.f32 $8.000000000e+00, v5;
	v5 =	vld [tilespmem:s29+$0xA0];
	[tilespmem:s26+$0x0] =	vst v4;
	s26 =	smov.u32 s29  }
0xb7: {  	v4 =	vmul.f32 $8.000000000e+00, v6;
	v6 =	vld [tilespmem:s29+$0xB0];
	[tilespmem:s29+$0x1B0] =	vst v7  }
0xb8: {  	[tilespmem:s29+$0x10] =	vst v1;
	v1 =	vmul.f32 $8.000000000e+00, v2;
	v2 =	vld [tilespmem:s29+$0x100]  }
0xb9: {  	[tilespmem:s29+$0x20] =	vst v4;
	v3 =	vmul.f32 $8.000000000e+00, v3;
	v4 =	vld [tilespmem:s29+$0x110]  }
0xba: {  	[tilespmem:s29+$0x30] =	vst v1;
	v1 =	vmul.f32 $8.000000000e+00, v0;
	v7 =	vld [tilespmem:s29+$0x120]  }
.Ltmp3:
0xbb: {  	[tilespmem:s29+$0x80] =	vst v3;
	v3 =	vmul.f32 $8.000000000e+00, v5;
	v0 =	vld [tilespmem:s29+$0x130];
	(pc) =	sbr.rel @p0 .LBB2_9-.Ltmp3, $4  }
0xbc: {  	[tilespmem:s29+$0x90] =	vst v1;
	v5 =	vmul.f32 $8.000000000e+00, v6;
	v1 =	vld [tilespmem:s29+$0x180]  }
0xbd: {  	[tilespmem:s29+$0xA0] =	vst v3;
	v6 =	vmul.f32 $8.000000000e+00, v2;
	v2 =	vld [tilespmem:s29+$0x190]  }
0xbe: {  	[tilespmem:s29+$0xB0] =	vst v5;
	v5 =	vmul.f32 $8.000000000e+00, v4;
	v3 =	vld [tilespmem:s29+$0x1A0]  }
0xbf: {  	s29 =	sadd.s32 $0x200, s29;
	v4 =	vld [tilespmem:s26+$0x0];
	[tilespmem:s26+$0x100] =	vst v6;
	v6 =	vmul.f32 $8.000000000e+00, v7  }
0xc0: {  	[tilespmem:s26+$0x110] =	vst v5;
	v0 =	vmul.f32 $8.000000000e+00, v0  }
0xc1: {  	[tilespmem:s26+$0x120] =	vst v6;
	v1 =	vmul.f32 $8.000000000e+00, v1  }
0xc2: {  	[tilespmem:s26+$0x130] =	vst v0;
	v61 =	vmul.f32 $8.000000000e+00, v2  }
0xc3: {  	[tilespmem:s26+$0x180] =	vst v1;
	v62 =	vmul.f32 $8.000000000e+00, v3  }
0xc4: {  	s25 =	sadd.s32 s5, s25;
	v63 =	vmul.f32 $8.000000000e+00, v4;
	[tilespmem:s26+$0x190] =	vst v61  }
0xc5: {  	s25 =	sshll.u32 s25, $0x4;
	[tilespmem:s26+$0x1A0] =	vst v62  }
0xc6: {  	s25 =	sadd.s32 s4, s25;
	[tilespmem:s26+$0x0] =	vst v63  }
0xc7: {  	[hbm4b:s25+s2] =	stream.linear.scatter [tilespmem:s14], [sflag:$0x8], $0x4000, $0x38;
	[tilespmem:$0x16400] =	vst v63  }
0xc8: {  	_ =	swait.ge [sflag:s19], $0x4000  }
0xc9: {  	[sflag:s19] =	ssyncset.done $0x0  }
0xca: {  	[sflag:s19] =	ssyncadd.s32 $0xFFFFC000  }
0xcb: {  	_ =	swait.ge [sflag:s20], $0x4000  }
0xcc: {  	[sflag:s20] =	ssyncset.done $0x0  }
0xcd: {  	s24 =	sadd.s32 $0x1, s24;
	[sflag:s20] =	ssyncadd.s32 $0xFFFFC000  }
0xce: {  	p0 =	sne.s32 s24, $0x32;
	_ =	swait.ge [sflag:s21], $0x4000  }
.Ltmp4:
0xcf: {  	[sflag:s21] =	ssyncset.done $0x0;
	(pc) =	sbr.rel @p0 .LBB2_2-.Ltmp4, $4  }
0xd0: {  	[sflag:s21] =	ssyncadd.s32 $0xFFFFC000  }
0xd1: {  	_ =	swait.ge [sflag:s22], $0x4000  }
0xd2: {  	[sflag:s22] =	ssyncset.done $0x0  }
0xd3: {  	[sflag:s22] =	ssyncadd.s32 $0xFFFFC000  }
0xd4: {  	s23 =	sadd.s32 $0x1, s23  }
0xd5: {  	p0 =	sne.s32 s23, s8  }
.Ltmp5:
0xd6: {  	_ = 	snop;
	(pc) =	sbr.rel @p0 .LBB2_1-.Ltmp5, $1  }
0xd7: {  	_ =	sdelay $0x3  }
0xd8: {  	_ =	sfence.sel $0x180000  }
0xd9: {  	[bflag:$0x0] =	sbarrier.arrive $0xFFFF  }
0xda: {  	p0 =	sne.s32 s1, $0x0;
	_ =	strace $0x90000047  }
0xdb: {  	s0 =	sadd.s32 @!p0 $0x100000, s0;
	[bflag:$0x2] =	sbarrier.arrive $0xFFFF  }
0xdc: {  	[sflag:s0] =	ssyncadd.tile.s32 @!p0 $0x1;
	_ =	shalt  }
.Lfunc_end2:
_tile_overlayer_lowered:
.L_overlay_start_2:
0xdd: {  	(tag) =	ssettag $0x2  }
0xde: {  	s0 =	rddreg [dreg:$0x0];
	s2 =	stileid.u32  }
0xdf: {  	s1 =	rddreg [dreg:$0x1];
	p0 =	sne.s32 s2, $0x0  }
0xe0: {  	s3 =	rddreg [dreg:$0x2];
	[bflag:$0x3] =	sbarrier.arrive $0xFFFF;
	s2 =	simm.s32 @!p0 $0x1C09  }
0xe1: {  	[timem:s3], [sflag:s2] =	dma.local @!p0 [hbm:s0], s1  }
0xe2: {  	s0 =	simm.s32 @!p0 $0x9  }
0xe3: {  	_ =	swait.ge @!p0 [sflag:s0], s1  }
0xe4: {  	s1 =	ssub.s32 @!p0 $0x0, s1;
	[sflag:s0] =	ssyncset.done @!p0 $0x0  }
0xe5: {  	[sflag:s0] =	ssyncadd.s32 @!p0 s1  }
0xe6: {  	[bflag:$0x3] =	sbarrier.arrive $0xFFFF  }
0xe7: {  	_ =	shalt  }

// kernel: sparse-core-data-format-call.cloned.1.call-start
scs
called_computation_lowered:
.L_overlay_start_0:
0x0: {  	s2 =	sld [smem:$0x3FD9]  }
0x1: {  	s3 =	sld [smem:$0x3FFE];
	_ =	sdelay $0x1  }
0x2: {  	s1 =	srdreg.scid  }
0x3: {  	s0 =	sand.u32 $0x1, s1  }
0x4: {  	s18 =	sshll.u32 s0, $0xA;
	s2 =	sadd.s32 s3, s2  }
0x5: {  	s2 =	sadd.s32 s2, s18  }
0x6: {  	[smem:$0x3FC6] =	sst s2  }
0x7: {  	_ = 	snop  }
0x8: {  	s2 =	sld [smem:$0x3FD0];
	(tm) =	ssettm $0x1  }
0x9: {  	s19 =	sld [smem:$0x3FFB];
	_ =	sdelay $0x3  }
0xa: {  	_ =	strace s19  }
0xb: {  	s3 =	sld [smem:$0x3FFC];
	_ =	sdelay $0x3  }
0xc: {  	_ =	strace s3  }
0xd: {  	s3 =	sld [smem:$0x3FFD];
	_ =	sdelay $0x3  }
0xe: {  	_ =	strace s3  }
0xf: {  	_ =	strace $0x8FFFFFFF  }
0x10: {  	s20 =	sld [smem:$0x3FDB];
	_ =	sdelay $0x1  }
0x11: {  	s4 =	simm.s32 $_scs_section_size  }
0x12: {  	s5 =	simm.s32 $_size__tile_overlayer_lowered;
	s6 =	simm.s32 $_tile_overlayer_lowered  }
0x13: {  	s23 =	simm.s32 $0x1BFF;
	s22 =	sshll.u32 s6, $0x1;
	s3 =	sadd.s32 s4, s20  }
0x14: {  	s7 =	simm.s32 $0x0;
	s21 =	sshll.u32 s5, $0x1;
	s5 =	sadd.s32 s22, s3  }
0x15: {  	[timem:s7], [sflag:s23] =	dma.local [hbm:s5], s21  }
0x16: {  	_ =	swait.ge [sflag:s23], s21  }
0x17: {  	s4 =	ssub.s32 $0x0, s21;
	[sflag:s23] =	ssyncset.done $0x0  }
0x18: {  	[sflag:s23] =	ssyncadd.s32 s4;
	_ =	sdelay $0x1  }
0x19: {  	s24 =	simm.s32 $0x1B8B  }
0x1a: {  	_ =	swait.ge [sflag:s24], $0x1  }
0x1b: {  	[sflag:s24] =	ssyncset.done $0x0  }
0x1c: {  	s26 =	simm.s32 $0x1B8E;
	s25 =	sld [smem:$0x3FFE];
	[sflag:s24] =	ssyncadd.s32 $0xFFFFFFFF  }
0x1d: {  	s27 =	simm.s32 $execute0_lowered;
	[smem:$0x3FD2] =	sst s26  }
0x1e: {  	s5 =	sshll.u32 s27, $0x1;
	_ =	strace $0x80000049;
	[dreg:$0x1] =	wrdreg $0xFFFFFFFF  }
0x1f: {  	s28 =	simm.s32 $_size_execute0_lowered;
	s3 =	sadd.s32 s3, s5;
	[dreg:$0x0] =	wrdreg $0x0  }
0x20: {  	s5 =	sshll.u32 s28, $0x1;
	[dreg:$0x2] =	wrdreg s3  }
0x21: {  	[dreg:$0x3] =	wrdreg s5  }
0x22: {  	[dreg:$0x4] =	wrdreg $0xC0  }
0x23: {  	_ =	task [dreg:s7], $0x5FFFF  }
0x24: {  	[dreg:$0x1] =	wrdreg $0xFFFFFFFF  }
0x25: {  	[dreg:$0x0] =	wrdreg $0x60  }
0x26: {  	[dreg:$0x2] =	wrdreg s25  }
0x27: {  	[dreg:$0x3] =	wrdreg s2  }
0x28: {  	[dreg:$0x4] =	wrdreg $0x9  }
0x29: {  	_ =	task.clear_ibuf [dreg:s7], $0x5FFFF;
	_ =	strace $0x90000049  }
0x2a: {  	s29 =	simm.s32 $0x9;
	_ =	strace $0x8000004B  }
0x2b: {  	_ =	swait.ge [sflag:s29], $0x1  }
0x2c: {  	[sflag:s29] =	ssyncadd.s32 $0xFFFFFFFF  }
0x2d: {  	_ =	strace $0x9000004B  }
0x2e: {  	_ =	sfence  }
0x2f: {  	s30 =	sld [smem:$0x0];
	_ =	sdelay $0x2  }
0x30: {  	s31 =	sshll.u32 s1, $0xD;
	s1 =	sshrl.u32 s1, $0x2  }
0x31: {  	s3 =	sand.u32 $0x4000, s31;
	s1 =	sadd.s32 s1, s30  }
0x32: {  	s0 =	sor.u32 s3, s0;
	s1 =	sshll.u32 s1, $0x11  }
0x33: {  	s0 =	sor.u32 s1, s0  }
0x34: {  	s0 =	sadd.s32 $0x8F2B, s0  }
0x35: {  	[sflag:s0] =	ssyncadd.remote.s32 $0x1  }
0x36: {  	_ =	sfence.sel $0xFFFF  }
0x37: {  	[dreg:$0x0] =	wrdreg $0xFFFFFFFF;
	(pc) =	sbr.abs _section_cstart, $3  }
0x38: {  	[dreg:$0x1] =	wrdreg $0xFFFFFFFF  }
0x39: {  	_ =	task.clear_ibuf [dreg:s7], $0x2FFFF;
	_ =	strace $0x9FFFFFFF  }
0x3a: {  	(tm) =	ssettm $0x7FFFFFFF  }
0x3b: {  	_ =	shalt  }
tec
execute0_lowered:
.L_overlay_start_1:
0x0: {  	(tag) =	ssettag $0x1  }
0x1: {  	s0 =	srdreg.scid  }
0x2: {  	s1 =	sshll.u32 s0, $0x4  }
0x3: {  	s0 =	stileid.u32;
	s1 =	sand.u32 $0x10, s1  }
0x4: {  	s1 =	sor.u32 s0, s1  }
0x5: {  	s6 =	rddreg [dreg:$0x0];
	s4 =	simm.s32 $0x1;
	s2 =	sshll.u32 s1, $0x7  }
0x6: {  	s7 =	simm.s32 $0x2;
	s12 =	simm.s32 $0x0;
	s1 =	ssub.s32 $0x1000, s2  }
0x7: {  	s8 =	simm.s32 $0x8000;
	s13 =	simm.s32 $0x0;
	s3 =	sand.u32 $0xF80, s1  }
0x8: {  	s9 =	simm.s32 $0x0;
	s5 =	sshrl.u32 s1, $0xC;
	p0 =	sne.s32 s3, $0x0  }
.Ltmp0:
0x9: {  	s1 =	rddreg [dreg:$0x2];
	s4 =	simm.s32 @!p0 $0x0;
	(pc) =	sbr.rel .LBB1_1-.Ltmp0, $4  }
0xa: {  	s11 =	simm.s32 $0x0;
	s3 =	rddreg [dreg:$0x1];
	s5 =	sadd.s32 s4, s5  }
0xb: {  	_ =	strace $0x8000004A;
	s4 =	simm.s32 $0x1;
	s5 =	smul.u32 $0xC8, s5  }
0xc: {  	s6 =	sadd.s32 $0xF42C00, s6;
	s10 =	smov.u32 s2;
	[sflag:s4] =	ssyncpa.u1 $0x0  }
0xd: {  	p0 =	por $0x0, $0x0;
	[sflag:s7] =	ssyncpa.u1 $0x0;
	s7 =	sor.u32 $0x1, s5  }
.LBB1_4:
0xe: {  	s16 =	sshll.u32 s13, $0x3;
	s17 =	sand.u32 $0x78, s13  }
0xf: {  	s30 =	sand.u32 $0x7E00, s13;
	s12 =	sshll.u32 s12, $0xF;
	s16 =	sand.u32 $0xC00, s16  }
0x10: {  	[tilespmem:s15+$0x810 ss:$0x81] =	vst.msk $0xffff, v2;
	s31 =	sand.u32 $0x7, s13;
	s16 =	sor.u32 s17, s16;
	s17 =	sadd.s32 s3, s30  }
0x11: {  	[tilespmem:s15+$0x1020 ss:$0x81] =	vst.msk $0xffff, v0;
	s13 =	sshll.u32 s31, $0x12;
	s12 =	sadd.s32 s12, s17;
	s16 =	sshrl.u32 s16, $0x3  }
0x12: {  	[tilespmem:s15+$0x0 ss:$0x81] =	vst.msk $0xffff, v1;
	s13 =	sor.u32 $0x400, s13;
	s12 =	sadd.s32 s16, s12  }
0x13: {  	[hbm4b:s12+s13] =	stream.strided.scatter [tilespmem:s14], [sflag:$0x2], $0x2000, s8, s13, $0x20;
	[tilespmem:$0x8080] =	vst v63  }
.LBB1_5:
0x14: {  	s14 =	sadd.s32 $0x1, s9  }
0x15: {  	s12 =	sadd.s32 $0x1000, s10;
	s16 =	smov.u32 s10;
	p2 =	sgt.s32 s14, $0xC7  }
0x16: {  	s16 =	smov.u32 @p2 s12  }
0x17: {  	s14 =	simm.s32 @p2 $0x0;
	p2 =	sgt.s32 s16, $0xFFF  }
0x18: {  	s16 =	smov.u32 @p2 s2;
	p2 =	sne.s32 s11, s7  }
.Ltmp1:
0x19: {  	p1 =	slt.u32 s11, $0x2;
	(pc) =	sbr.rel @!p2 .LBB1_6-.Ltmp1, $4  }
0x1a: {  	s15 =	simm.s32 @!p1 $0x2  }
0x1b: {  	s13 =	smov.u32 s10;
	p0 =	por !p0, !p0;
	_ =	swait.ge @!p1 [sflag:s15], $0x2000  }
0x1c: {  	s12 =	smov.u32 s9;
	[sflag:s15] =	ssyncset.done @!p1 $0x0;
	s9 =	smov.u32 s14  }
0x1d: {  	s11 =	sadd.s32 $0x1, s11;
	[sflag:s15] =	ssyncadd.s32 @!p1 $0xFFFFE000;
	s10 =	smov.u32 s16  }
.LBB1_1:
0x1e: {  	p1 =	sge.u32 s11, s5  }
0x1f: {  	s14 =	sand.u32 @!p1 $0x1FFFFFF, s9  }
0x20: {  	s15 =	smulhi.u32 @!p1 $0x147AE15, s14;
	_ =	sdelay $0x1  }
0x21: {  	s15 =	smul.u32 @!p1 $0xC8, s15  }
0x22: {  	s16 =	sxor.u32 @!p1 $0xFFFFFFFF, s11;
	s17 =	smul.u32 @!p1 $0xC80, s10  }
0x23: {  	s31 =	sadd.s32 $0xFFFFFFFF, s11;
	s16 =	sshll.u32 @!p1 s16, $0xD;
	s14 =	ssub.s32 @!p1 s14, s15  }
0x24: {  	s15 =	sand.u32 @!p1 $0x2000, s16;
	s16 =	sadd.s32 @!p1 s6, s17;
	s14 =	sshll.u32 @!p1 s14, $0x4  }
0x25: {  	s17 =	simm.s32 @!p1 $0x6400;
	s14 =	sadd.s32 @!p1 s14, s16;
	s16 =	simm.s32 @!p1 $0x40  }
0x26: {  	[tilespmem:s15], [sflag:$0x1] =	stream.strided.gather @!p1 [hbm4b:s14+s16], $0x2000, s17, s16, $0x38;
	[tilespmem:$0x8080] =	vst v63  }
0x27: {  	p1 =	sge.u32 s31, s5  }
.Ltmp2:
0x28: {  	_ = 	snop;
	(pc) =	sbr.rel @p1 .LBB1_5-.Ltmp2, $1  }
0x29: {  	_ =	sdelay $0x3  }
0x2a: {  	s14 =	simm.s32 $0x1  }
0x2b: {  	_ =	swait.ge [sflag:s4], $0x2000;
	s14 =	simm.s32 @!p0 $0x0  }
0x2c: {  	[sflag:s4] =	ssyncset.done $0x0;
	s15 =	sshll.u32 s14, $0xD  }
0x2d: {  	[sflag:s4] =	ssyncadd.s32 $0xFFFFE000;
	s18 =	sor.u32 $0x20, s15  }
0x2e: {  	s14 =	smul.u32 $0x8100, s14;
	v3 =	vld [tilespmem:s18+$0x10]  }
0x2f: {  	s30 =	sand.u32 $0x1, s11;
	v2 =	vld [tilespmem:s18+$0xFFFFFFF0]  }
0x30: {  	s15 =	smul.u32 $0x8100, s30;
	s14 =	sshrl.u32 s14, $0x2;
	v0 =	vld [tilespmem:s18+$0x0]  }
0x31: {  	v1 =	vld [tilespmem:s18+$0xFFFFFFE0];
	s16 =	sor.u32 $0x4000, s14  }
0x32: {  	s31 =	sshrl.u32 s15, $0x2;
	s15 =	sadd.s32 $0x0, s16  }
0x33: {  	s17 =	simm.s32 $0x4;
	s18 =	sadd.s32 $0x40, s18;
	s14 =	sor.u32 $0x4000, s31;
	[tilespmem:s15+$0x1830 ss:$0x81] =	vst.msk $0xffff, v3  }
.LBB1_3:
0x34: {  	v3 =	vld [tilespmem:s18+$0x10];
	p1 =	sne.s32 s17, $0x1FC;
	[tilespmem:s15+$0x810 ss:$0x81] =	vst.msk $0xffff, v2;
	s19 =	smov.u32 s17;
	s17 =	sadd.s32 $0x4, s17  }
.Ltmp3:
0x35: {  	v2 =	vld [tilespmem:s18+$0xFFFFFFF0];
	[tilespmem:s15+$0x1020 ss:$0x81] =	vst.msk $0xffff, v0;
	(pc) =	sbr.rel @p1 .LBB1_3-.Ltmp3, $4  }
0x36: {  	v0 =	vld [tilespmem:s18+$0x0];
	[tilespmem:s15+$0x0 ss:$0x81] =	vst.msk $0xffff, v1  }
0x37: {  	s15 =	sshra.s32 s19, $0x2;
	v1 =	vld [tilespmem:s18+$0xFFFFFFE0]  }
0x38: {  	s15 =	sadd.s32 s15, s16  }
0x39: {  	s18 =	sadd.s32 $0x40, s18;
	[tilespmem:s15+$0x1830 ss:$0x81] =	vst.msk $0xffff, v3  }
.Ltmp4:
0x3a: {  	_ = 	snop;
	(pc) =	sbr.rel .LBB1_4-.Ltmp4, $1  }
0x3b: {  	_ =	sdelay $0x3  }
.LBB1_6:
0x3c: {  	_ =	sfence.sel $0x180000  }
0x3d: {  	s2 =	simm.s32 $0x1;
	[bflag:$0x0] =	sbarrier.arrive $0xFFFF  }
0x3e: {  	s31 =	simm.s32 $0x2;
	[sflag:s2] =	ssyncpa.u1 $0x1  }
0x3f: {  	[sflag:s31] =	ssyncpa.u1 $0x1  }
0x40: {  	p0 =	sne.s32 s0, $0x0;
	_ =	strace $0x9000004A  }
0x41: {  	s0 =	sadd.s32 @!p0 $0x100000, s1;
	[bflag:$0x2] =	sbarrier.arrive $0xFFFF  }
0x42: {  	[sflag:s0] =	ssyncadd.tile.s32 @!p0 $0x1;
	_ =	shalt  }
.Lfunc_end1:
_tile_overlayer_lowered:
.L_overlay_start_2:
0x43: {  	(tag) =	ssettag $0x2  }
0x44: {  	s0 =	rddreg [dreg:$0x0];
	s2 =	stileid.u32  }
0x45: {  	s1 =	rddreg [dreg:$0x1];
	p0 =	sne.s32 s2, $0x0  }
0x46: {  	s3 =	rddreg [dreg:$0x2];
	[bflag:$0x3] =	sbarrier.arrive $0xFFFF;
	s2 =	simm.s32 @!p0 $0x1C01  }
0x47: {  	[timem:s3], [sflag:s2] =	dma.local @!p0 [hbm:s0], s1  }
0x48: {  	s0 =	simm.s32 @!p0 $0x1  }
0x49: {  	_ =	swait.ge @!p0 [sflag:s0], s1  }
0x4a: {  	s1 =	ssub.s32 @!p0 $0x0, s1;
	[sflag:s0] =	ssyncset.done @!p0 $0x0  }
0x4b: {  	[sflag:s0] =	ssyncadd.s32 @!p0 s1  }
0x4c: {  	[bflag:$0x3] =	sbarrier.arrive $0xFFFF  }
0x4d: {  	_ =	shalt  }

</sc_bundles>
